<compile_context>
chip_gen: v7x
topology: tpu7x:2x2x1
jax: 0.10.2.dev20260603
libtpu: 0.0.44.dev20260713+nightly
codegen_flags: <defaults>
</compile_context>

<pallas_src>
import functools

import jax
import jax.numpy as jnp
from jax import lax
from jax.experimental import pallas as pl
from jax.experimental.pallas import tpu as pltpu
from jax.experimental.pallas import tpu_sc as plsc

_N = 20000
_TILES = 16
_RPT = 1280
_GROUPS = _RPT // 16
_EPS = 1e-7

_mesh = plsc.VectorSubcoreMesh(core_axis_name="c", subcore_axis_name="s",
                               num_cores=1)


@functools.partial(
    pl.kernel,
    mesh=_mesh,
    compiler_params=pltpu.CompilerParams(
        needs_layout_passes=False,
        use_tc_tiling_on_sc=False,
        skip_device_barrier=True,
        disable_bounds_checks=True,
        disable_semaphore_checks=True,
    ),
    out_type=(jax.ShapeDtypeStruct((_TILES, 16), jnp.float32),
              jax.ShapeDtypeStruct((16,), jnp.float32)),
    scratch_types=[
        pltpu.VMEM((4, _RPT), jnp.float32),
        pltpu.VMEM((4, _RPT), jnp.float32),
        pltpu.VMEM((16,), jnp.float32),
        pltpu.VMEM((_TILES, 16), jnp.float32),
        pltpu.VMEM((16,), jnp.float32),
        pltpu.SemaphoreType.DMA,
    ],
)
def _giou_sc(pred_hbm, tgt_hbm, part_hbm, out_hbm, pred_v, tgt_v, acc_v,
             red_v, res_v, sem):
    sid = lax.axis_index("s")
    lo = sid * _RPT
    b = jnp.minimum(lo, _N - _RPT)
    copies = []
    for f in range(4):
        copies.append(pltpu.async_copy(
            pred_hbm.at[pl.ds(f * _N + b, _RPT)], pred_v.at[f], sem))
        copies.append(pltpu.async_copy(
            tgt_hbm.at[pl.ds(f * _N + b, _RPT)], tgt_v.at[f], sem))
    for c in copies:
        c.wait()

    lane = lax.iota(jnp.int32, 16)

    def body(g, acc):
        s = pl.ds(g * 16, 16)
        px1 = pred_v[0, s]
        py1 = pred_v[1, s]
        px2 = pred_v[2, s]
        py2 = pred_v[3, s]
        tx1 = tgt_v[0, s]
        ty1 = tgt_v[1, s]
        tx2 = tgt_v[2, s]
        ty2 = tgt_v[3, s]
        iw = jnp.maximum(jnp.minimum(px2, tx2) - jnp.maximum(px1, tx1), 0.0)
        ih = jnp.maximum(jnp.minimum(py2, ty2) - jnp.maximum(py1, ty1), 0.0)
        inter = iw * ih
        area_p = (px2 - px1) * (py2 - py1)
        area_t = (tx2 - tx1) * (ty2 - ty1)
        union = area_p + area_t - inter
        iou = inter / (union + _EPS)
        cw = jnp.maximum(px2, tx2) - jnp.minimum(px1, tx1)
        ch = jnp.maximum(py2, ty2) - jnp.minimum(py1, ty1)
        area_c = cw * ch
        giou = iou - (area_c - union) / (area_c + _EPS)
        loss = 1.0 - giou
        row = b + g * 16 + lane
        return acc + jnp.where(row >= lo, loss, 0.0)

    acc = lax.fori_loop(0, _GROUPS, body, jnp.zeros((16,), jnp.float32))

    acc_v[...] = acc
    pltpu.sync_copy(acc_v, part_hbm.at[sid])
    plsc.subcore_barrier()

    @pl.when(sid == 0)
    def _():
        pltpu.sync_copy(part_hbm, red_v)
        tot = red_v[0]
        for j in range(1, _TILES):
            tot = tot + red_v[j]
        res_v[...] = jnp.broadcast_to(jnp.sum(tot) * (1.0 / _N), (16,))
        pltpu.sync_copy(res_v, out_hbm)


def kernel(pred_boxes, target_boxes):
    _, out = _giou_sc(jnp.transpose(pred_boxes).ravel(),
                      jnp.transpose(target_boxes).ravel())
    return out[:1]

# --- scband reference (transcript-rebuilt; emitter-appended) ---
"""Pipeline reference for scband-gio-uloss-74878459838529 (READ-ONLY COPY).

The authoritative reference and input builder live on the scoring server;
editing this copy changes nothing except your own understanding.
"""

import jax, jax.numpy as jnp
import numpy as np

N = 20000

def setup_inputs(seed: int = 0) -> dict:
    key = jax.random.key(seed)
    k1, k2, k3, k4 = jax.random.split(key, 4)
    # Construct valid xyxy boxes (x2 > x1, y2 > y1) from uniform samples.
    pxy = jax.random.uniform(k1, (N, 2), dtype=jnp.float32, minval=0.0, maxval=1000.0)
    pwh = jax.random.uniform(k2, (N, 2), dtype=jnp.float32, minval=1.0, maxval=100.0)
    pred_boxes = jnp.concatenate([pxy, pxy + pwh], axis=1)
    txy = jax.random.uniform(k3, (N, 2), dtype=jnp.float32, minval=0.0, maxval=1000.0)
    twh = jax.random.uniform(k4, (N, 2), dtype=jnp.float32, minval=1.0, maxval=100.0)
    target_boxes = jnp.concatenate([txy, txy + twh], axis=1)
    return {"pred_boxes": pred_boxes, "target_boxes": target_boxes}

def _giou_loss_mean(pred, tgt):
    # Faithful port of torchvision.ops.generalized_box_iou_loss (elementwise,
    # paired boxes, reduction='mean', eps=1e-7).
    eps = 1e-7
    px1, py1, px2, py2 = pred[:, 0], pred[:, 1], pred[:, 2], pred[:, 3]
    tx1, ty1, tx2, ty2 = tgt[:, 0], tgt[:, 1], tgt[:, 2], tgt[:, 3]
    # intersection
    ix1 = jnp.maximum(px1, tx1)
    iy1 = jnp.maximum(py1, ty1)
    ix2 = jnp.minimum(px2, tx2)
    iy2 = jnp.minimum(py2, ty2)
    inter = jnp.clip(ix2 - ix1, 0.0) * jnp.clip(iy2 - iy1, 0.0)
    area_p = (px2 - px1) * (py2 - py1)
    area_t = (tx2 - tx1) * (ty2 - ty1)
    union = area_p + area_t - inter
    iou = inter / (union + eps)
    # smallest enclosing box
    cx1 = jnp.minimum(px1, tx1)
    cy1 = jnp.minimum(py1, ty1)
    cx2 = jnp.maximum(px2, tx2)
    cy2 = jnp.maximum(py2, ty2)
    area_c = (cx2 - cx1) * (cy2 - cy1)
    giou = iou - (area_c - union) / (area_c + eps)
    loss = 1.0 - giou
    return jnp.mean(loss)

def reference(pred_boxes, target_boxes):
    # GIoULoss.forward for 2-D inputs: since pred_boxes.size(0) == target_boxes.size(0),
    # greedy matching is skipped and the loss is computed on aligned pairs with
    # reduction='mean'; the forward then returns loss[None] of shape (1,).
    loss = _giou_loss_mean(pred_boxes, target_boxes)
    return loss[None]

if __name__ == "__main__":
    import jax
    _d = setup_inputs()
    print(jax.jit(kernel)(*tuple(_d.values())))

</pallas_src>

<mosaic_0001>
#map = affine_map<(d0, d1) -> (0)>
#map1 = affine_map<(d0, d1) -> (0, 0)>
module attributes {stable_mosaic.version = 14 : i64} {
  func.func @_giou_sc(%arg0: i32, %arg1: i32, %arg2: memref<80000xf32, #tpu.memory_space<hbm>>, %arg3: memref<80000xf32, #tpu.memory_space<hbm>>, %arg4: memref<16x16xf32, #tpu.memory_space<hbm>>, %arg5: memref<16xf32, #tpu.memory_space<hbm>>, %arg6: memref<4x1280xf32, #tpu.memory_space<vmem>>, %arg7: memref<4x1280xf32, #tpu.memory_space<vmem>>, %arg8: memref<16xf32, #tpu.memory_space<vmem>>, %arg9: memref<16x16xf32, #tpu.memory_space<vmem>>, %arg10: memref<16xf32, #tpu.memory_space<vmem>>, %arg11: memref<!tpu.dma_semaphore, #tpu.memory_space<semaphore_mem>>) attributes {dimension_semantics = [#tpu.dimension_semantics<core_parallel>, #tpu.dimension_semantics<subcore_parallel>], iteration_bounds = array<i64: 1, 16>, scalar_prefetch = 0 : i64, scratch_operands = 6 : i64, tpu.core_type = #tpu.core_type<sc_vector_subcore>, window_params = [{transform_indices = #map}, {transform_indices = #map}, {transform_indices = #map1}, {transform_indices = #map}]} {
    %mul3A = arith.constant 1280 : i32
    %mul3A_0 = arith.muli %arg1, %mul3A : i32
    %min3A = arith.constant 18720 : i32
    %min3A_1 = arith.minsi %mul3A_0, %min3A : i32
    %add3A = arith.constant 0 : i32
    %add3A_2 = arith.addi %add3A, %min3A_1 : i32
    %dma_start3A = arith.constant 0 : i32
    %dma_start3A_3 = arith.constant 0 : i32
    %dma_start3A_4 = tpu.memref_slice %arg6[%dma_start3A, %dma_start3A_3] : memref<4x1280xf32, #tpu.memory_space<vmem>> -> memref<1x1280xf32, #tpu.memory_space<vmem>>
    %dma_start3A_5 = tpu.memref_squeeze %dma_start3A_4 : memref<1x1280xf32, #tpu.memory_space<vmem>> -> memref<1280xf32, #tpu.memory_space<vmem>>
    %dma_start3A_6 = tpu.memref_slice %arg2[%add3A_2] : memref<80000xf32, #tpu.memory_space<hbm>> -> memref<1280xf32, #tpu.memory_space<hbm>>
    %dma_start3A_7 = arith.constant 0 : i32
    %dma_start3A_8 = tpu.memref_slice %arg6[%dma_start3A, %dma_start3A_7] : memref<4x1280xf32, #tpu.memory_space<vmem>> -> memref<1x1280xf32, #tpu.memory_space<vmem>>
    %dma_start3A_9 = tpu.memref_squeeze %dma_start3A_8 : memref<1x1280xf32, #tpu.memory_space<vmem>> -> memref<1280xf32, #tpu.memory_space<vmem>>
    %dma_start3A_10 = tpu.memref_slice %arg2[%add3A_2] : memref<80000xf32, #tpu.memory_space<hbm>> -> memref<1280xf32, #tpu.memory_space<hbm>>
    tpu.enqueue_dma source(%dma_start3A_10 : memref<1280xf32, #tpu.memory_space<hbm>>) target(%dma_start3A_9 : memref<1280xf32, #tpu.memory_space<vmem>>) target_semaphore(%arg11 : memref<!tpu.dma_semaphore, #tpu.memory_space<semaphore_mem>>)
    %add3A_11 = arith.constant 0 : i32
    %add3A_12 = arith.addi %add3A_11, %min3A_1 : i32
    %dma_start3A_13 = arith.constant 0 : i32
    %dma_start3A_14 = arith.constant 0 : i32
    %dma_start3A_15 = tpu.memref_slice %arg7[%dma_start3A_13, %dma_start3A_14] : memref<4x1280xf32, #tpu.memory_space<vmem>> -> memref<1x1280xf32, #tpu.memory_space<vmem>>
    %dma_start3A_16 = tpu.memref_squeeze %dma_start3A_15 : memref<1x1280xf32, #tpu.memory_space<vmem>> -> memref<1280xf32, #tpu.memory_space<vmem>>
    %dma_start3A_17 = tpu.memref_slice %arg3[%add3A_12] : memref<80000xf32, #tpu.memory_space<hbm>> -> memref<1280xf32, #tpu.memory_space<hbm>>
    %dma_start3A_18 = arith.constant 0 : i32
    %dma_start3A_19 = tpu.memref_slice %arg7[%dma_start3A_13, %dma_start3A_18] : memref<4x1280xf32, #tpu.memory_space<vmem>> -> memref<1x1280xf32, #tpu.memory_space<vmem>>
    %dma_start3A_20 = tpu.memref_squeeze %dma_start3A_19 : memref<1x1280xf32, #tpu.memory_space<vmem>> -> memref<1280xf32, #tpu.memory_space<vmem>>
    %dma_start3A_21 = tpu.memref_slice %arg3[%add3A_12] : memref<80000xf32, #tpu.memory_space<hbm>> -> memref<1280xf32, #tpu.memory_space<hbm>>
    tpu.enqueue_dma source(%dma_start3A_21 : memref<1280xf32, #tpu.memory_space<hbm>>) target(%dma_start3A_20 : memref<1280xf32, #tpu.memory_space<vmem>>) target_semaphore(%arg11 : memref<!tpu.dma_semaphore, #tpu.memory_space<semaphore_mem>>)
    %add3A_22 = arith.constant 20000 : i32
    %add3A_23 = arith.addi %add3A_22, %min3A_1 : i32
    %dma_start3A_24 = arith.constant 1 : i32
    %dma_start3A_25 = arith.constant 0 : i32
    %dma_start3A_26 = tpu.memref_slice %arg6[%dma_start3A_24, %dma_start3A_25] : memref<4x1280xf32, #tpu.memory_space<vmem>> -> memref<1x1280xf32, #tpu.memory_space<vmem>>
    %dma_start3A_27 = tpu.memref_squeeze %dma_start3A_26 : memref<1x1280xf32, #tpu.memory_space<vmem>> -> memref<1280xf32, #tpu.memory_space<vmem>>
    %dma_start3A_28 = tpu.memref_slice %arg2[%add3A_23] : memref<80000xf32, #tpu.memory_space<hbm>> -> memref<1280xf32, #tpu.memory_space<hbm>>
    %dma_start3A_29 = arith.constant 0 : i32
    %dma_start3A_30 = tpu.memref_slice %arg6[%dma_start3A_24, %dma_start3A_29] : memref<4x1280xf32, #tpu.memory_space<vmem>> -> memref<1x1280xf32, #tpu.memory_space<vmem>>
    %dma_start3A_31 = tpu.memref_squeeze %dma_start3A_30 : memref<1x1280xf32, #tpu.memory_space<vmem>> -> memref<1280xf32, #tpu.memory_space<vmem>>
    %dma_start3A_32 = tpu.memref_slice %arg2[%add3A_23] : memref<80000xf32, #tpu.memory_space<hbm>> -> memref<1280xf32, #tpu.memory_space<hbm>>
    tpu.enqueue_dma source(%dma_start3A_32 : memref<1280xf32, #tpu.memory_space<hbm>>) target(%dma_start3A_31 : memref<1280xf32, #tpu.memory_space<vmem>>) target_semaphore(%arg11 : memref<!tpu.dma_semaphore, #tpu.memory_space<semaphore_mem>>)
    %add3A_33 = arith.constant 20000 : i32
    %add3A_34 = arith.addi %add3A_33, %min3A_1 : i32
    %dma_start3A_35 = arith.constant 1 : i32
    %dma_start3A_36 = arith.constant 0 : i32
    %dma_start3A_37 = tpu.memref_slice %arg7[%dma_start3A_35, %dma_start3A_36] : memref<4x1280xf32, #tpu.memory_space<vmem>> -> memref<1x1280xf32, #tpu.memory_space<vmem>>
    %dma_start3A_38 = tpu.memref_squeeze %dma_start3A_37 : memref<1x1280xf32, #tpu.memory_space<vmem>> -> memref<1280xf32, #tpu.memory_space<vmem>>
    %dma_start3A_39 = tpu.memref_slice %arg3[%add3A_34] : memref<80000xf32, #tpu.memory_space<hbm>> -> memref<1280xf32, #tpu.memory_space<hbm>>
    %dma_start3A_40 = arith.constant 0 : i32
    %dma_start3A_41 = tpu.memref_slice %arg7[%dma_start3A_35, %dma_start3A_40] : memref<4x1280xf32, #tpu.memory_space<vmem>> -> memref<1x1280xf32, #tpu.memory_space<vmem>>
    %dma_start3A_42 = tpu.memref_squeeze %dma_start3A_41 : memref<1x1280xf32, #tpu.memory_space<vmem>> -> memref<1280xf32, #tpu.memory_space<vmem>>
    %dma_start3A_43 = tpu.memref_slice %arg3[%add3A_34] : memref<80000xf32, #tpu.memory_space<hbm>> -> memref<1280xf32, #tpu.memory_space<hbm>>
    tpu.enqueue_dma source(%dma_start3A_43 : memref<1280xf32, #tpu.memory_space<hbm>>) target(%dma_start3A_42 : memref<1280xf32, #tpu.memory_space<vmem>>) target_semaphore(%arg11 : memref<!tpu.dma_semaphore, #tpu.memory_space<semaphore_mem>>)
    %add3A_44 = arith.constant 40000 : i32
    %add3A_45 = arith.addi %add3A_44, %min3A_1 : i32
    %dma_start3A_46 = arith.constant 2 : i32
    %dma_start3A_47 = arith.constant 0 : i32
    %dma_start3A_48 = tpu.memref_slice %arg6[%dma_start3A_46, %dma_start3A_47] : memref<4x1280xf32, #tpu.memory_space<vmem>> -> memref<1x1280xf32, #tpu.memory_space<vmem>>
    %dma_start3A_49 = tpu.memref_squeeze %dma_start3A_48 : memref<1x1280xf32, #tpu.memory_space<vmem>> -> memref<1280xf32, #tpu.memory_space<vmem>>
    %dma_start3A_50 = tpu.memref_slice %arg2[%add3A_45] : memref<80000xf32, #tpu.memory_space<hbm>> -> memref<1280xf32, #tpu.memory_space<hbm>>
    %dma_start3A_51 = arith.constant 0 : i32
    %dma_start3A_52 = tpu.memref_slice %arg6[%dma_start3A_46, %dma_start3A_51] : memref<4x1280xf32, #tpu.memory_space<vmem>> -> memref<1x1280xf32, #tpu.memory_space<vmem>>
    %dma_start3A_53 = tpu.memref_squeeze %dma_start3A_52 : memref<1x1280xf32, #tpu.memory_space<vmem>> -> memref<1280xf32, #tpu.memory_space<vmem>>
    %dma_start3A_54 = tpu.memref_slice %arg2[%add3A_45] : memref<80000xf32, #tpu.memory_space<hbm>> -> memref<1280xf32, #tpu.memory_space<hbm>>
    tpu.enqueue_dma source(%dma_start3A_54 : memref<1280xf32, #tpu.memory_space<hbm>>) target(%dma_start3A_53 : memref<1280xf32, #tpu.memory_space<vmem>>) target_semaphore(%arg11 : memref<!tpu.dma_semaphore, #tpu.memory_space<semaphore_mem>>)
    %add3A_55 = arith.constant 40000 : i32
    %add3A_56 = arith.addi %add3A_55, %min3A_1 : i32
    %dma_start3A_57 = arith.constant 2 : i32
    %dma_start3A_58 = arith.constant 0 : i32
    %dma_start3A_59 = tpu.memref_slice %arg7[%dma_start3A_57, %dma_start3A_58] : memref<4x1280xf32, #tpu.memory_space<vmem>> -> memref<1x1280xf32, #tpu.memory_space<vmem>>
    %dma_start3A_60 = tpu.memref_squeeze %dma_start3A_59 : memref<1x1280xf32, #tpu.memory_space<vmem>> -> memref<1280xf32, #tpu.memory_space<vmem>>
    %dma_start3A_61 = tpu.memref_slice %arg3[%add3A_56] : memref<80000xf32, #tpu.memory_space<hbm>> -> memref<1280xf32, #tpu.memory_space<hbm>>
    %dma_start3A_62 = arith.constant 0 : i32
    %dma_start3A_63 = tpu.memref_slice %arg7[%dma_start3A_57, %dma_start3A_62] : memref<4x1280xf32, #tpu.memory_space<vmem>> -> memref<1x1280xf32, #tpu.memory_space<vmem>>
    %dma_start3A_64 = tpu.memref_squeeze %dma_start3A_63 : memref<1x1280xf32, #tpu.memory_space<vmem>> -> memref<1280xf32, #tpu.memory_space<vmem>>
    %dma_start3A_65 = tpu.memref_slice %arg3[%add3A_56] : memref<80000xf32, #tpu.memory_space<hbm>> -> memref<1280xf32, #tpu.memory_space<hbm>>
    tpu.enqueue_dma source(%dma_start3A_65 : memref<1280xf32, #tpu.memory_space<hbm>>) target(%dma_start3A_64 : memref<1280xf32, #tpu.memory_space<vmem>>) target_semaphore(%arg11 : memref<!tpu.dma_semaphore, #tpu.memory_space<semaphore_mem>>)
    %add3A_66 = arith.constant 60000 : i32
    %add3A_67 = arith.addi %add3A_66, %min3A_1 : i32
    %dma_start3A_68 = arith.constant 3 : i32
    %dma_start3A_69 = arith.constant 0 : i32
    %dma_start3A_70 = tpu.memref_slice %arg6[%dma_start3A_68, %dma_start3A_69] : memref<4x1280xf32, #tpu.memory_space<vmem>> -> memref<1x1280xf32, #tpu.memory_space<vmem>>
    %dma_start3A_71 = tpu.memref_squeeze %dma_start3A_70 : memref<1x1280xf32, #tpu.memory_space<vmem>> -> memref<1280xf32, #tpu.memory_space<vmem>>
    %dma_start3A_72 = tpu.memref_slice %arg2[%add3A_67] : memref<80000xf32, #tpu.memory_space<hbm>> -> memref<1280xf32, #tpu.memory_space<hbm>>
    %dma_start3A_73 = arith.constant 0 : i32
    %dma_start3A_74 = tpu.memref_slice %arg6[%dma_start3A_68, %dma_start3A_73] : memref<4x1280xf32, #tpu.memory_space<vmem>> -> memref<1x1280xf32, #tpu.memory_space<vmem>>
    %dma_start3A_75 = tpu.memref_squeeze %dma_start3A_74 : memref<1x1280xf32, #tpu.memory_space<vmem>> -> memref<1280xf32, #tpu.memory_space<vmem>>
    %dma_start3A_76 = tpu.memref_slice %arg2[%add3A_67] : memref<80000xf32, #tpu.memory_space<hbm>> -> memref<1280xf32, #tpu.memory_space<hbm>>
    tpu.enqueue_dma source(%dma_start3A_76 : memref<1280xf32, #tpu.memory_space<hbm>>) target(%dma_start3A_75 : memref<1280xf32, #tpu.memory_space<vmem>>) target_semaphore(%arg11 : memref<!tpu.dma_semaphore, #tpu.memory_space<semaphore_mem>>)
    %add3A_77 = arith.constant 60000 : i32
    %add3A_78 = arith.addi %add3A_77, %min3A_1 : i32
    %dma_start3A_79 = arith.constant 3 : i32
    %dma_start3A_80 = arith.constant 0 : i32
    %dma_start3A_81 = tpu.memref_slice %arg7[%dma_start3A_79, %dma_start3A_80] : memref<4x1280xf32, #tpu.memory_space<vmem>> -> memref<1x1280xf32, #tpu.memory_space<vmem>>
    %dma_start3A_82 = tpu.memref_squeeze %dma_start3A_81 : memref<1x1280xf32, #tpu.memory_space<vmem>> -> memref<1280xf32, #tpu.memory_space<vmem>>
    %dma_start3A_83 = tpu.memref_slice %arg3[%add3A_78] : memref<80000xf32, #tpu.memory_space<hbm>> -> memref<1280xf32, #tpu.memory_space<hbm>>
    %dma_start3A_84 = arith.constant 0 : i32
    %dma_start3A_85 = tpu.memref_slice %arg7[%dma_start3A_79, %dma_start3A_84] : memref<4x1280xf32, #tpu.memory_space<vmem>> -> memref<1x1280xf32, #tpu.memory_space<vmem>>
    %dma_start3A_86 = tpu.memref_squeeze %dma_start3A_85 : memref<1x1280xf32, #tpu.memory_space<vmem>> -> memref<1280xf32, #tpu.memory_space<vmem>>
    %dma_start3A_87 = tpu.memref_slice %arg3[%add3A_78] : memref<80000xf32, #tpu.memory_space<hbm>> -> memref<1280xf32, #tpu.memory_space<hbm>>
    tpu.enqueue_dma source(%dma_start3A_87 : memref<1280xf32, #tpu.memory_space<hbm>>) target(%dma_start3A_86 : memref<1280xf32, #tpu.memory_space<vmem>>) target_semaphore(%arg11 : memref<!tpu.dma_semaphore, #tpu.memory_space<semaphore_mem>>)
    %dma_wait3A = arith.constant 0 : i32
    %dma_wait3A_88 = arith.constant 0 : i32
    %dma_wait3A_89 = tpu.memref_slice %arg6[%dma_wait3A, %dma_wait3A_88] : memref<4x1280xf32, #tpu.memory_space<vmem>> -> memref<1x1280xf32, #tpu.memory_space<vmem>>
    %dma_wait3A_90 = tpu.memref_squeeze %dma_wait3A_89 : memref<1x1280xf32, #tpu.memory_space<vmem>> -> memref<1280xf32, #tpu.memory_space<vmem>>
    %dma_wait3A_91 = tpu.memref_slice %arg2[%add3A_2] : memref<80000xf32, #tpu.memory_space<hbm>> -> memref<1280xf32, #tpu.memory_space<hbm>>
    %dma_wait3A_92 = arith.constant 0 : i32
    %dma_wait3A_93 = tpu.memref_slice %arg6[%dma_wait3A, %dma_wait3A_92] : memref<4x1280xf32, #tpu.memory_space<vmem>> -> memref<1x1280xf32, #tpu.memory_space<vmem>>
    %dma_wait3A_94 = tpu.memref_squeeze %dma_wait3A_93 : memref<1x1280xf32, #tpu.memory_space<vmem>> -> memref<1280xf32, #tpu.memory_space<vmem>>
    %dma_wait3A_95 = tpu.memref_slice %arg2[%add3A_2] : memref<80000xf32, #tpu.memory_space<hbm>> -> memref<1280xf32, #tpu.memory_space<hbm>>
    tpu.wait_dma2 semaphore(%arg11 : memref<!tpu.dma_semaphore, #tpu.memory_space<semaphore_mem>>) src(%dma_wait3A_95 : memref<1280xf32, #tpu.memory_space<hbm>>) dst(%dma_wait3A_94 : memref<1280xf32, #tpu.memory_space<vmem>>)
    %dma_wait3A_96 = arith.constant 0 : i32
    %dma_wait3A_97 = arith.constant 0 : i32
    %dma_wait3A_98 = tpu.memref_slice %arg7[%dma_wait3A_96, %dma_wait3A_97] : memref<4x1280xf32, #tpu.memory_space<vmem>> -> memref<1x1280xf32, #tpu.memory_space<vmem>>
    %dma_wait3A_99 = tpu.memref_squeeze %dma_wait3A_98 : memref<1x1280xf32, #tpu.memory_space<vmem>> -> memref<1280xf32, #tpu.memory_space<vmem>>
    %dma_wait3A_100 = tpu.memref_slice %arg3[%add3A_12] : memref<80000xf32, #tpu.memory_space<hbm>> -> memref<1280xf32, #tpu.memory_space<hbm>>
    %dma_wait3A_101 = arith.constant 0 : i32
    %dma_wait3A_102 = tpu.memref_slice %arg7[%dma_wait3A_96, %dma_wait3A_101] : memref<4x1280xf32, #tpu.memory_space<vmem>> -> memref<1x1280xf32, #tpu.memory_space<vmem>>
    %dma_wait3A_103 = tpu.memref_squeeze %dma_wait3A_102 : memref<1x1280xf32, #tpu.memory_space<vmem>> -> memref<1280xf32, #tpu.memory_space<vmem>>
    %dma_wait3A_104 = tpu.memref_slice %arg3[%add3A_12] : memref<80000xf32, #tpu.memory_space<hbm>> -> memref<1280xf32, #tpu.memory_space<hbm>>
    tpu.wait_dma2 semaphore(%arg11 : memref<!tpu.dma_semaphore, #tpu.memory_space<semaphore_mem>>) src(%dma_wait3A_104 : memref<1280xf32, #tpu.memory_space<hbm>>) dst(%dma_wait3A_103 : memref<1280xf32, #tpu.memory_space<vmem>>)
    %dma_wait3A_105 = arith.constant 1 : i32
    %dma_wait3A_106 = arith.constant 0 : i32
    %dma_wait3A_107 = tpu.memref_slice %arg6[%dma_wait3A_105, %dma_wait3A_106] : memref<4x1280xf32, #tpu.memory_space<vmem>> -> memref<1x1280xf32, #tpu.memory_space<vmem>>
    %dma_wait3A_108 = tpu.memref_squeeze %dma_wait3A_107 : memref<1x1280xf32, #tpu.memory_space<vmem>> -> memref<1280xf32, #tpu.memory_space<vmem>>
    %dma_wait3A_109 = tpu.memref_slice %arg2[%add3A_23] : memref<80000xf32, #tpu.memory_space<hbm>> -> memref<1280xf32, #tpu.memory_space<hbm>>
    %dma_wait3A_110 = arith.constant 0 : i32
    %dma_wait3A_111 = tpu.memref_slice %arg6[%dma_wait3A_105, %dma_wait3A_110] : memref<4x1280xf32, #tpu.memory_space<vmem>> -> memref<1x1280xf32, #tpu.memory_space<vmem>>
    %dma_wait3A_112 = tpu.memref_squeeze %dma_wait3A_111 : memref<1x1280xf32, #tpu.memory_space<vmem>> -> memref<1280xf32, #tpu.memory_space<vmem>>
    %dma_wait3A_113 = tpu.memref_slice %arg2[%add3A_23] : memref<80000xf32, #tpu.memory_space<hbm>> -> memref<1280xf32, #tpu.memory_space<hbm>>
    tpu.wait_dma2 semaphore(%arg11 : memref<!tpu.dma_semaphore, #tpu.memory_space<semaphore_mem>>) src(%dma_wait3A_113 : memref<1280xf32, #tpu.memory_space<hbm>>) dst(%dma_wait3A_112 : memref<1280xf32, #tpu.memory_space<vmem>>)
    %dma_wait3A_114 = arith.constant 1 : i32
    %dma_wait3A_115 = arith.constant 0 : i32
    %dma_wait3A_116 = tpu.memref_slice %arg7[%dma_wait3A_114, %dma_wait3A_115] : memref<4x1280xf32, #tpu.memory_space<vmem>> -> memref<1x1280xf32, #tpu.memory_space<vmem>>
    %dma_wait3A_117 = tpu.memref_squeeze %dma_wait3A_116 : memref<1x1280xf32, #tpu.memory_space<vmem>> -> memref<1280xf32, #tpu.memory_space<vmem>>
    %dma_wait3A_118 = tpu.memref_slice %arg3[%add3A_34] : memref<80000xf32, #tpu.memory_space<hbm>> -> memref<1280xf32, #tpu.memory_space<hbm>>
    %dma_wait3A_119 = arith.constant 0 : i32
    %dma_wait3A_120 = tpu.memref_slice %arg7[%dma_wait3A_114, %dma_wait3A_119] : memref<4x1280xf32, #tpu.memory_space<vmem>> -> memref<1x1280xf32, #tpu.memory_space<vmem>>
    %dma_wait3A_121 = tpu.memref_squeeze %dma_wait3A_120 : memref<1x1280xf32, #tpu.memory_space<vmem>> -> memref<1280xf32, #tpu.memory_space<vmem>>
    %dma_wait3A_122 = tpu.memref_slice %arg3[%add3A_34] : memref<80000xf32, #tpu.memory_space<hbm>> -> memref<1280xf32, #tpu.memory_space<hbm>>
    tpu.wait_dma2 semaphore(%arg11 : memref<!tpu.dma_semaphore, #tpu.memory_space<semaphore_mem>>) src(%dma_wait3A_122 : memref<1280xf32, #tpu.memory_space<hbm>>) dst(%dma_wait3A_121 : memref<1280xf32, #tpu.memory_space<vmem>>)
    %dma_wait3A_123 = arith.constant 2 : i32
    %dma_wait3A_124 = arith.constant 0 : i32
    %dma_wait3A_125 = tpu.memref_slice %arg6[%dma_wait3A_123, %dma_wait3A_124] : memref<4x1280xf32, #tpu.memory_space<vmem>> -> memref<1x1280xf32, #tpu.memory_space<vmem>>
    %dma_wait3A_126 = tpu.memref_squeeze %dma_wait3A_125 : memref<1x1280xf32, #tpu.memory_space<vmem>> -> memref<1280xf32, #tpu.memory_space<vmem>>
    %dma_wait3A_127 = tpu.memref_slice %arg2[%add3A_45] : memref<80000xf32, #tpu.memory_space<hbm>> -> memref<1280xf32, #tpu.memory_space<hbm>>
    %dma_wait3A_128 = arith.constant 0 : i32
    %dma_wait3A_129 = tpu.memref_slice %arg6[%dma_wait3A_123, %dma_wait3A_128] : memref<4x1280xf32, #tpu.memory_space<vmem>> -> memref<1x1280xf32, #tpu.memory_space<vmem>>
    %dma_wait3A_130 = tpu.memref_squeeze %dma_wait3A_129 : memref<1x1280xf32, #tpu.memory_space<vmem>> -> memref<1280xf32, #tpu.memory_space<vmem>>
    %dma_wait3A_131 = tpu.memref_slice %arg2[%add3A_45] : memref<80000xf32, #tpu.memory_space<hbm>> -> memref<1280xf32, #tpu.memory_space<hbm>>
    tpu.wait_dma2 semaphore(%arg11 : memref<!tpu.dma_semaphore, #tpu.memory_space<semaphore_mem>>) src(%dma_wait3A_131 : memref<1280xf32, #tpu.memory_space<hbm>>) dst(%dma_wait3A_130 : memref<1280xf32, #tpu.memory_space<vmem>>)
    %dma_wait3A_132 = arith.constant 2 : i32
    %dma_wait3A_133 = arith.constant 0 : i32
    %dma_wait3A_134 = tpu.memref_slice %arg7[%dma_wait3A_132, %dma_wait3A_133] : memref<4x1280xf32, #tpu.memory_space<vmem>> -> memref<1x1280xf32, #tpu.memory_space<vmem>>
    %dma_wait3A_135 = tpu.memref_squeeze %dma_wait3A_134 : memref<1x1280xf32, #tpu.memory_space<vmem>> -> memref<1280xf32, #tpu.memory_space<vmem>>
    %dma_wait3A_136 = tpu.memref_slice %arg3[%add3A_56] : memref<80000xf32, #tpu.memory_space<hbm>> -> memref<1280xf32, #tpu.memory_space<hbm>>
    %dma_wait3A_137 = arith.constant 0 : i32
    %dma_wait3A_138 = tpu.memref_slice %arg7[%dma_wait3A_132, %dma_wait3A_137] : memref<4x1280xf32, #tpu.memory_space<vmem>> -> memref<1x1280xf32, #tpu.memory_space<vmem>>
    %dma_wait3A_139 = tpu.memref_squeeze %dma_wait3A_138 : memref<1x1280xf32, #tpu.memory_space<vmem>> -> memref<1280xf32, #tpu.memory_space<vmem>>
    %dma_wait3A_140 = tpu.memref_slice %arg3[%add3A_56] : memref<80000xf32, #tpu.memory_space<hbm>> -> memref<1280xf32, #tpu.memory_space<hbm>>
    tpu.wait_dma2 semaphore(%arg11 : memref<!tpu.dma_semaphore, #tpu.memory_space<semaphore_mem>>) src(%dma_wait3A_140 : memref<1280xf32, #tpu.memory_space<hbm>>) dst(%dma_wait3A_139 : memref<1280xf32, #tpu.memory_space<vmem>>)
    %dma_wait3A_141 = arith.constant 3 : i32
    %dma_wait3A_142 = arith.constant 0 : i32
    %dma_wait3A_143 = tpu.memref_slice %arg6[%dma_wait3A_141, %dma_wait3A_142] : memref<4x1280xf32, #tpu.memory_space<vmem>> -> memref<1x1280xf32, #tpu.memory_space<vmem>>
    %dma_wait3A_144 = tpu.memref_squeeze %dma_wait3A_143 : memref<1x1280xf32, #tpu.memory_space<vmem>> -> memref<1280xf32, #tpu.memory_space<vmem>>
    %dma_wait3A_145 = tpu.memref_slice %arg2[%add3A_67] : memref<80000xf32, #tpu.memory_space<hbm>> -> memref<1280xf32, #tpu.memory_space<hbm>>
    %dma_wait3A_146 = arith.constant 0 : i32
    %dma_wait3A_147 = tpu.memref_slice %arg6[%dma_wait3A_141, %dma_wait3A_146] : memref<4x1280xf32, #tpu.memory_space<vmem>> -> memref<1x1280xf32, #tpu.memory_space<vmem>>
    %dma_wait3A_148 = tpu.memref_squeeze %dma_wait3A_147 : memref<1x1280xf32, #tpu.memory_space<vmem>> -> memref<1280xf32, #tpu.memory_space<vmem>>
    %dma_wait3A_149 = tpu.memref_slice %arg2[%add3A_67] : memref<80000xf32, #tpu.memory_space<hbm>> -> memref<1280xf32, #tpu.memory_space<hbm>>
    tpu.wait_dma2 semaphore(%arg11 : memref<!tpu.dma_semaphore, #tpu.memory_space<semaphore_mem>>) src(%dma_wait3A_149 : memref<1280xf32, #tpu.memory_space<hbm>>) dst(%dma_wait3A_148 : memref<1280xf32, #tpu.memory_space<vmem>>)
    %dma_wait3A_150 = arith.constant 3 : i32
    %dma_wait3A_151 = arith.constant 0 : i32
    %dma_wait3A_152 = tpu.memref_slice %arg7[%dma_wait3A_150, %dma_wait3A_151] : memref<4x1280xf32, #tpu.memory_space<vmem>> -> memref<1x1280xf32, #tpu.memory_space<vmem>>
    %dma_wait3A_153 = tpu.memref_squeeze %dma_wait3A_152 : memref<1x1280xf32, #tpu.memory_space<vmem>> -> memref<1280xf32, #tpu.memory_space<vmem>>
    %dma_wait3A_154 = tpu.memref_slice %arg3[%add3A_78] : memref<80000xf32, #tpu.memory_space<hbm>> -> memref<1280xf32, #tpu.memory_space<hbm>>
    %dma_wait3A_155 = arith.constant 0 : i32
    %dma_wait3A_156 = tpu.memref_slice %arg7[%dma_wait3A_150, %dma_wait3A_155] : memref<4x1280xf32, #tpu.memory_space<vmem>> -> memref<1x1280xf32, #tpu.memory_space<vmem>>
    %dma_wait3A_157 = tpu.memref_squeeze %dma_wait3A_156 : memref<1x1280xf32, #tpu.memory_space<vmem>> -> memref<1280xf32, #tpu.memory_space<vmem>>
    %dma_wait3A_158 = tpu.memref_slice %arg3[%add3A_78] : memref<80000xf32, #tpu.memory_space<hbm>> -> memref<1280xf32, #tpu.memory_space<hbm>>
    tpu.wait_dma2 semaphore(%arg11 : memref<!tpu.dma_semaphore, #tpu.memory_space<semaphore_mem>>) src(%dma_wait3A_158 : memref<1280xf32, #tpu.memory_space<hbm>>) dst(%dma_wait3A_157 : memref<1280xf32, #tpu.memory_space<vmem>>)
    %iota3A = tpu.iota {dimensions = array<i32: 0>} : vector<16xi32>
    %broadcast_in_dim3A = arith.constant 0.000000e+00 : f32
    %broadcast_in_dim3A_159 = vector.broadcast %broadcast_in_dim3A : f32 to vector<16xf32>
    %scan3A = arith.constant 0 : i32
    %scan3A_160 = arith.constant 80 : i32
    %scan3A_161 = arith.addi %scan3A, %scan3A_160 : i32
    %scan3A_162 = arith.constant 1 : i32
    %scan3A_163 = scf.for %scan3A_168 = %scan3A to %scan3A_161 step %scan3A_162 iter_args(%scan3A_169 = %broadcast_in_dim3A_159) -> (vector<16xf32>)  : i32 {
      %mul3A_170 = arith.constant 16 : i32
      %mul3A_171 = arith.muli %scan3A_168, %mul3A_170 : i32
      %get3A = arith.constant 0 : i32
      %get3A_172 = arith.index_cast %get3A : i32 to index
      %get3A_173 = arith.index_cast %mul3A_171 : i32 to index
      %get3A_174 = tpu.vector_load %arg6[%get3A_172, %get3A_173] {strides = array<i32>} : memref<4x1280xf32, #tpu.memory_space<vmem>>, vector<16xf32>,
      %get3A_175 = arith.constant 1 : i32
      %get3A_176 = arith.index_cast %get3A_175 : i32 to index
      %get3A_177 = arith.index_cast %mul3A_171 : i32 to index
      %get3A_178 = tpu.vector_load %arg6[%get3A_176, %get3A_177] {strides = array<i32>} : memref<4x1280xf32, #tpu.memory_space<vmem>>, vector<16xf32>,
      %get3A_179 = arith.constant 2 : i32
      %get3A_180 = arith.index_cast %get3A_179 : i32 to index
      %get3A_181 = arith.index_cast %mul3A_171 : i32 to index
      %get3A_182 = tpu.vector_load %arg6[%get3A_180, %get3A_181] {strides = array<i32>} : memref<4x1280xf32, #tpu.memory_space<vmem>>, vector<16xf32>,
      %get3A_183 = arith.constant 3 : i32
      %get3A_184 = arith.index_cast %get3A_183 : i32 to index
      %get3A_185 = arith.index_cast %mul3A_171 : i32 to index
      %get3A_186 = tpu.vector_load %arg6[%get3A_184, %get3A_185] {strides = array<i32>} : memref<4x1280xf32, #tpu.memory_space<vmem>>, vector<16xf32>,
      %get3A_187 = arith.constant 0 : i32
      %get3A_188 = arith.index_cast %get3A_187 : i32 to index
      %get3A_189 = arith.index_cast %mul3A_171 : i32 to index
      %get3A_190 = tpu.vector_load %arg7[%get3A_188, %get3A_189] {strides = array<i32>} : memref<4x1280xf32, #tpu.memory_space<vmem>>, vector<16xf32>,
      %get3A_191 = arith.constant 1 : i32
      %get3A_192 = arith.index_cast %get3A_191 : i32 to index
      %get3A_193 = arith.index_cast %mul3A_171 : i32 to index
      %get3A_194 = tpu.vector_load %arg7[%get3A_192, %get3A_193] {strides = array<i32>} : memref<4x1280xf32, #tpu.memory_space<vmem>>, vector<16xf32>,
      %get3A_195 = arith.constant 2 : i32
      %get3A_196 = arith.index_cast %get3A_195 : i32 to index
      %get3A_197 = arith.index_cast %mul3A_171 : i32 to index
      %get3A_198 = tpu.vector_load %arg7[%get3A_196, %get3A_197] {strides = array<i32>} : memref<4x1280xf32, #tpu.memory_space<vmem>>, vector<16xf32>,
      %get3A_199 = arith.constant 3 : i32
      %get3A_200 = arith.index_cast %get3A_199 : i32 to index
      %get3A_201 = arith.index_cast %mul3A_171 : i32 to index
      %get3A_202 = tpu.vector_load %arg7[%get3A_200, %get3A_201] {strides = array<i32>} : memref<4x1280xf32, #tpu.memory_space<vmem>>, vector<16xf32>,
      %min3A_203 = arith.minimumf %get3A_182, %get3A_198 : vector<16xf32>
      %max3A = arith.maximumf %get3A_174, %get3A_190 : vector<16xf32>
      %sub3A = arith.subf %min3A_203, %max3A : vector<16xf32>
      %max3A_204 = arith.constant 0.000000e+00 : f32
      %max3A_205 = vector.broadcast %max3A_204 : f32 to vector<16xf32>
      %max3A_206 = arith.maximumf %sub3A, %max3A_205 : vector<16xf32>
      %min3A_207 = arith.minimumf %get3A_186, %get3A_202 : vector<16xf32>
      %max3A_208 = arith.maximumf %get3A_178, %get3A_194 : vector<16xf32>
      %sub3A_209 = arith.subf %min3A_207, %max3A_208 : vector<16xf32>
      %max3A_210 = arith.constant 0.000000e+00 : f32
      %max3A_211 = vector.broadcast %max3A_210 : f32 to vector<16xf32>
      %max3A_212 = arith.maximumf %sub3A_209, %max3A_211 : vector<16xf32>
      %mul3A_213 = arith.mulf %max3A_206, %max3A_212 : vector<16xf32>
      %sub3A_214 = arith.subf %get3A_182, %get3A_174 : vector<16xf32>
      %sub3A_215 = arith.subf %get3A_186, %get3A_178 : vector<16xf32>
      %mul3A_216 = arith.mulf %sub3A_214, %sub3A_215 : vector<16xf32>
      %sub3A_217 = arith.subf %get3A_198, %get3A_190 : vector<16xf32>
      %sub3A_218 = arith.subf %get3A_202, %get3A_194 : vector<16xf32>
      %mul3A_219 = arith.mulf %sub3A_217, %sub3A_218 : vector<16xf32>
      %add3A_220 = arith.addf %mul3A_216, %mul3A_219 : vector<16xf32>
      %sub3A_221 = arith.subf %add3A_220, %mul3A_213 : vector<16xf32>
      %add3A_222 = arith.constant 1.000000e-07 : f32
      %add3A_223 = vector.broadcast %add3A_222 : f32 to vector<16xf32>
      %add3A_224 = arith.addf %sub3A_221, %add3A_223 : vector<16xf32>
      %div3A = arith.divf %mul3A_213, %add3A_224 : vector<16xf32>
      %max3A_225 = arith.maximumf %get3A_182, %get3A_198 : vector<16xf32>
      %min3A_226 = arith.minimumf %get3A_174, %get3A_190 : vector<16xf32>
      %sub3A_227 = arith.subf %max3A_225, %min3A_226 : vector<16xf32>
      %max3A_228 = arith.maximumf %get3A_186, %get3A_202 : vector<16xf32>
      %min3A_229 = arith.minimumf %get3A_178, %get3A_194 : vector<16xf32>
      %sub3A_230 = arith.subf %max3A_228, %min3A_229 : vector<16xf32>
      %mul3A_231 = arith.mulf %sub3A_227, %sub3A_230 : vector<16xf32>
      %sub3A_232 = arith.subf %mul3A_231, %sub3A_221 : vector<16xf32>
      %add3A_233 = arith.constant 1.000000e-07 : f32
      %add3A_234 = vector.broadcast %add3A_233 : f32 to vector<16xf32>
      %add3A_235 = arith.addf %mul3A_231, %add3A_234 : vector<16xf32>
      %div3A_236 = arith.divf %sub3A_232, %add3A_235 : vector<16xf32>
      %sub3A_237 = arith.subf %div3A, %div3A_236 : vector<16xf32>
      %sub3A_238 = arith.constant 1.000000e+00 : f32
      %sub3A_239 = vector.broadcast %sub3A_238 : f32 to vector<16xf32>
      %sub3A_240 = arith.subf %sub3A_239, %sub3A_237 : vector<16xf32>
      %mul3A_241 = arith.constant 16 : i32
      %mul3A_242 = arith.muli %scan3A_168, %mul3A_241 : i32
      %add3A_243 = arith.addi %min3A_1, %mul3A_242 : i32
      %add3A_244 = vector.broadcast %add3A_243 : i32 to vector<16xi32>
      %add3A_245 = arith.addi %add3A_244, %iota3A : vector<16xi32>
      %ge3A = vector.broadcast %mul3A_0 : i32 to vector<16xi32>
      %ge3A_246 = arith.cmpi sge, %add3A_245, %ge3A : vector<16xi32>
      %jit3A = arith.constant 0.000000e+00 : f32
      %broadcast_in_dim3A_247 = vector.broadcast %jit3A : f32 to vector<16xf32>
      %select_n3A = arith.select %ge3A_246, %sub3A_240, %broadcast_in_dim3A_247 : vector<16xi1>, vector<16xf32>
      %add3A_248 = arith.addf %scan3A_169, %select_n3A : vector<16xf32>
      scf.yield %add3A_248 : vector<16xf32>
    }
    %scan3A_164 = arith.constant 80 : i32
    %swap3A = arith.constant 0 : index
    %swap3A_165 = tpu.vector_load %arg8[%swap3A] {strides = array<i32>} : memref<16xf32, #tpu.memory_space<vmem>>, vector<16xf32>,
    tpu.vector_store %arg8[%swap3A], %scan3A_163 {strides = array<i32>} : memref<16xf32, #tpu.memory_space<vmem>>, vector<16xf32>,
    "tpu.region"() ({
      %run_scoped3A = tpu.sem_alloc : memref<!tpu.dma_semaphore, #tpu.memory_space<semaphore_mem>>
      %dma_start3A_168 = arith.constant 0 : i32
      %dma_start3A_169 = tpu.memref_slice %arg4[%arg1, %dma_start3A_168] : memref<16x16xf32, #tpu.memory_space<hbm>> -> memref<1x16xf32, #tpu.memory_space<hbm>>
      %dma_start3A_170 = tpu.memref_squeeze %dma_start3A_169 : memref<1x16xf32, #tpu.memory_space<hbm>> -> memref<16xf32, #tpu.memory_space<hbm>>
      %dma_start3A_171 = arith.constant 0 : i32
      %dma_start3A_172 = tpu.memref_slice %arg4[%arg1, %dma_start3A_171] : memref<16x16xf32, #tpu.memory_space<hbm>> -> memref<1x16xf32, #tpu.memory_space<hbm>>
      %dma_start3A_173 = tpu.memref_squeeze %dma_start3A_172 : memref<1x16xf32, #tpu.memory_space<hbm>> -> memref<16xf32, #tpu.memory_space<hbm>>
      tpu.enqueue_dma source(%arg8 : memref<16xf32, #tpu.memory_space<vmem>>) target(%dma_start3A_173 : memref<16xf32, #tpu.memory_space<hbm>>) target_semaphore(%run_scoped3A : memref<!tpu.dma_semaphore, #tpu.memory_space<semaphore_mem>>)
      %dma_wait3A_174 = arith.constant 0 : i32
      %dma_wait3A_175 = tpu.memref_slice %arg4[%arg1, %dma_wait3A_174] : memref<16x16xf32, #tpu.memory_space<hbm>> -> memref<1x16xf32, #tpu.memory_space<hbm>>
      %dma_wait3A_176 = tpu.memref_squeeze %dma_wait3A_175 : memref<1x16xf32, #tpu.memory_space<hbm>> -> memref<16xf32, #tpu.memory_space<hbm>>
      %dma_wait3A_177 = arith.constant 0 : i32
      %dma_wait3A_178 = tpu.memref_slice %arg4[%arg1, %dma_wait3A_177] : memref<16x16xf32, #tpu.memory_space<hbm>> -> memref<1x16xf32, #tpu.memory_space<hbm>>
      %dma_wait3A_179 = tpu.memref_squeeze %dma_wait3A_178 : memref<1x16xf32, #tpu.memory_space<hbm>> -> memref<16xf32, #tpu.memory_space<hbm>>
      tpu.wait_dma2 semaphore(%run_scoped3A : memref<!tpu.dma_semaphore, #tpu.memory_space<semaphore_mem>>) src(%arg8 : memref<16xf32, #tpu.memory_space<vmem>>) dst(%dma_wait3A_179 : memref<16xf32, #tpu.memory_space<hbm>>)
      tpu.yield
    }) : () -> ()
    %barrier3A = arith.constant 0 : index
    tpu.barrier barrier_id(%barrier3A)
    %eq3A = arith.constant 0 : i32
    %eq3A_166 = arith.cmpi eq, %arg1, %eq3A : i32
    %convert_element_type3A = arith.extui %eq3A_166 : i1 to i32
    %cond3A = arith.constant 0 : i32
    %cond3A_167 = arith.cmpi ne, %convert_element_type3A, %cond3A : i32
    scf.if %cond3A_167 {
      "tpu.region"() ({
        %run_scoped3A = tpu.sem_alloc : memref<!tpu.dma_semaphore, #tpu.memory_space<semaphore_mem>>
        tpu.enqueue_dma source(%arg4 : memref<16x16xf32, #tpu.memory_space<hbm>>) target(%arg9 : memref<16x16xf32, #tpu.memory_space<vmem>>) target_semaphore(%run_scoped3A : memref<!tpu.dma_semaphore, #tpu.memory_space<semaphore_mem>>)
        tpu.wait_dma2 semaphore(%run_scoped3A : memref<!tpu.dma_semaphore, #tpu.memory_space<semaphore_mem>>) src(%arg4 : memref<16x16xf32, #tpu.memory_space<hbm>>) dst(%arg9 : memref<16x16xf32, #tpu.memory_space<vmem>>)
        tpu.yield
      }) : () -> ()
      %get3A = arith.constant 0 : i32
      %get3A_168 = arith.index_cast %get3A : i32 to index
      %get3A_169 = arith.constant 0 : index
      %get3A_170 = tpu.vector_load %arg9[%get3A_168, %get3A_169] {strides = array<i32>} : memref<16x16xf32, #tpu.memory_space<vmem>>, vector<16xf32>,
      %get3A_171 = arith.constant 1 : i32
      %get3A_172 = arith.index_cast %get3A_171 : i32 to index
      %get3A_173 = arith.constant 0 : index
      %get3A_174 = tpu.vector_load %arg9[%get3A_172, %get3A_173] {strides = array<i32>} : memref<16x16xf32, #tpu.memory_space<vmem>>, vector<16xf32>,
      %add3A_175 = arith.addf %get3A_170, %get3A_174 : vector<16xf32>
      %get3A_176 = arith.constant 2 : i32
      %get3A_177 = arith.index_cast %get3A_176 : i32 to index
      %get3A_178 = arith.constant 0 : index
      %get3A_179 = tpu.vector_load %arg9[%get3A_177, %get3A_178] {strides = array<i32>} : memref<16x16xf32, #tpu.memory_space<vmem>>, vector<16xf32>,
      %add3A_180 = arith.addf %add3A_175, %get3A_179 : vector<16xf32>
      %get3A_181 = arith.constant 3 : i32
      %get3A_182 = arith.index_cast %get3A_181 : i32 to index
      %get3A_183 = arith.constant 0 : index
      %get3A_184 = tpu.vector_load %arg9[%get3A_182, %get3A_183] {strides = array<i32>} : memref<16x16xf32, #tpu.memory_space<vmem>>, vector<16xf32>,
      %add3A_185 = arith.addf %add3A_180, %get3A_184 : vector<16xf32>
      %get3A_186 = arith.constant 4 : i32
      %get3A_187 = arith.index_cast %get3A_186 : i32 to index
      %get3A_188 = arith.constant 0 : index
      %get3A_189 = tpu.vector_load %arg9[%get3A_187, %get3A_188] {strides = array<i32>} : memref<16x16xf32, #tpu.memory_space<vmem>>, vector<16xf32>,
      %add3A_190 = arith.addf %add3A_185, %get3A_189 : vector<16xf32>
      %get3A_191 = arith.constant 5 : i32
      %get3A_192 = arith.index_cast %get3A_191 : i32 to index
      %get3A_193 = arith.constant 0 : index
      %get3A_194 = tpu.vector_load %arg9[%get3A_192, %get3A_193] {strides = array<i32>} : memref<16x16xf32, #tpu.memory_space<vmem>>, vector<16xf32>,
      %add3A_195 = arith.addf %add3A_190, %get3A_194 : vector<16xf32>
      %get3A_196 = arith.constant 6 : i32
      %get3A_197 = arith.index_cast %get3A_196 : i32 to index
      %get3A_198 = arith.constant 0 : index
      %get3A_199 = tpu.vector_load %arg9[%get3A_197, %get3A_198] {strides = array<i32>} : memref<16x16xf32, #tpu.memory_space<vmem>>, vector<16xf32>,
      %add3A_200 = arith.addf %add3A_195, %get3A_199 : vector<16xf32>
      %get3A_201 = arith.constant 7 : i32
      %get3A_202 = arith.index_cast %get3A_201 : i32 to index
      %get3A_203 = arith.constant 0 : index
      %get3A_204 = tpu.vector_load %arg9[%get3A_202, %get3A_203] {strides = array<i32>} : memref<16x16xf32, #tpu.memory_space<vmem>>, vector<16xf32>,
      %add3A_205 = arith.addf %add3A_200, %get3A_204 : vector<16xf32>
      %get3A_206 = arith.constant 8 : i32
      %get3A_207 = arith.index_cast %get3A_206 : i32 to index
      %get3A_208 = arith.constant 0 : index
      %get3A_209 = tpu.vector_load %arg9[%get3A_207, %get3A_208] {strides = array<i32>} : memref<16x16xf32, #tpu.memory_space<vmem>>, vector<16xf32>,
      %add3A_210 = arith.addf %add3A_205, %get3A_209 : vector<16xf32>
      %get3A_211 = arith.constant 9 : i32
      %get3A_212 = arith.index_cast %get3A_211 : i32 to index
      %get3A_213 = arith.constant 0 : index
      %get3A_214 = tpu.vector_load %arg9[%get3A_212, %get3A_213] {strides = array<i32>} : memref<16x16xf32, #tpu.memory_space<vmem>>, vector<16xf32>,
      %add3A_215 = arith.addf %add3A_210, %get3A_214 : vector<16xf32>
      %get3A_216 = arith.constant 10 : i32
      %get3A_217 = arith.index_cast %get3A_216 : i32 to index
      %get3A_218 = arith.constant 0 : index
      %get3A_219 = tpu.vector_load %arg9[%get3A_217, %get3A_218] {strides = array<i32>} : memref<16x16xf32, #tpu.memory_space<vmem>>, vector<16xf32>,
      %add3A_220 = arith.addf %add3A_215, %get3A_219 : vector<16xf32>
      %get3A_221 = arith.constant 11 : i32
      %get3A_222 = arith.index_cast %get3A_221 : i32 to index
      %get3A_223 = arith.constant 0 : index
      %get3A_224 = tpu.vector_load %arg9[%get3A_222, %get3A_223] {strides = array<i32>} : memref<16x16xf32, #tpu.memory_space<vmem>>, vector<16xf32>,
      %add3A_225 = arith.addf %add3A_220, %get3A_224 : vector<16xf32>
      %get3A_226 = arith.constant 12 : i32
      %get3A_227 = arith.index_cast %get3A_226 : i32 to index
      %get3A_228 = arith.constant 0 : index
      %get3A_229 = tpu.vector_load %arg9[%get3A_227, %get3A_228] {strides = array<i32>} : memref<16x16xf32, #tpu.memory_space<vmem>>, vector<16xf32>,
      %add3A_230 = arith.addf %add3A_225, %get3A_229 : vector<16xf32>
      %get3A_231 = arith.constant 13 : i32
      %get3A_232 = arith.index_cast %get3A_231 : i32 to index
      %get3A_233 = arith.constant 0 : index
      %get3A_234 = tpu.vector_load %arg9[%get3A_232, %get3A_233] {strides = array<i32>} : memref<16x16xf32, #tpu.memory_space<vmem>>, vector<16xf32>,
      %add3A_235 = arith.addf %add3A_230, %get3A_234 : vector<16xf32>
      %get3A_236 = arith.constant 14 : i32
      %get3A_237 = arith.index_cast %get3A_236 : i32 to index
      %get3A_238 = arith.constant 0 : index
      %get3A_239 = tpu.vector_load %arg9[%get3A_237, %get3A_238] {strides = array<i32>} : memref<16x16xf32, #tpu.memory_space<vmem>>, vector<16xf32>,
      %add3A_240 = arith.addf %add3A_235, %get3A_239 : vector<16xf32>
      %get3A_241 = arith.constant 15 : i32
      %get3A_242 = arith.index_cast %get3A_241 : i32 to index
      %get3A_243 = arith.constant 0 : index
      %get3A_244 = tpu.vector_load %arg9[%get3A_242, %get3A_243] {strides = array<i32>} : memref<16x16xf32, #tpu.memory_space<vmem>>, vector<16xf32>,
      %add3A_245 = arith.addf %add3A_240, %get3A_244 : vector<16xf32>
      %reduce_sum3A = arith.constant true
      %reduce_sum3A_246 = vector.broadcast %reduce_sum3A : i1 to vector<16xi1>
      %reduce_sum3A_247 = tpu.scan <sum>, %add3A_245 masked %reduce_sum3A_246 : vector<16xf32>, vector<16xi1> -> vector<16xf32>
      %reduce_sum3A_248 = vector.extract %reduce_sum3A_247[15] : f32 from vector<16xf32>
      %mul3A_249 = arith.constant 5.000000e-05 : f32
      %mul3A_250 = arith.mulf %reduce_sum3A_248, %mul3A_249 : f32
      %broadcast_in_dim3A_251 = vector.broadcast %mul3A_250 : f32 to vector<16xf32>
      %swap3A_252 = arith.constant 0 : index
      %swap3A_253 = tpu.vector_load %arg10[%swap3A_252] {strides = array<i32>} : memref<16xf32, #tpu.memory_space<vmem>>, vector<16xf32>,
      tpu.vector_store %arg10[%swap3A_252], %broadcast_in_dim3A_251 {strides = array<i32>} : memref<16xf32, #tpu.memory_space<vmem>>, vector<16xf32>,
      "tpu.region"() ({
        %run_scoped3A = tpu.sem_alloc : memref<!tpu.dma_semaphore, #tpu.memory_space<semaphore_mem>>
        tpu.enqueue_dma source(%arg10 : memref<16xf32, #tpu.memory_space<vmem>>) target(%arg5 : memref<16xf32, #tpu.memory_space<hbm>>) target_semaphore(%run_scoped3A : memref<!tpu.dma_semaphore, #tpu.memory_space<semaphore_mem>>)
        tpu.wait_dma2 semaphore(%run_scoped3A : memref<!tpu.dma_semaphore, #tpu.memory_space<semaphore_mem>>) src(%arg10 : memref<16xf32, #tpu.memory_space<vmem>>) dst(%arg5 : memref<16xf32, #tpu.memory_space<hbm>>)
        tpu.yield
      }) : () -> ()
    } else {
    }
    return
  }
}

</mosaic_0001>

<sc_bundles>
// kernel: kernel.3.cloned.1.call-start
scs
__scs_entry_jumppad:
0x0: {  	(pc) =	sbr.rel $0x88, $3  }
0x1: {  	(tag) =	ssettag $0x0;
	lr =	simm.s32 $0x1  }
0x2: {  	[smem:$0x3F9F] =	sst lr;
	_ =	strace $0xD0000000  }
0x3: {  	_ = 	snop  }
0x4: {  	_ = 	snop  }
0x5: {  	_ = 	snop  }
0x6: {  	_ = 	snop  }
0x7: {  	_ = 	snop  }
__scs_overlays_trampoline_lowered:
0x8: {  	[smem:$0x3FAE] =	sst s0  }
0x9: {  	[smem:$0x3FAF] =	sst s1  }
0xa: {  	[smem:$0x3FB0] =	sst s2  }
0xb: {  	[smem:$0x3FB1] =	sst s3  }
0xc: {  	[smem:$0x3FB2] =	sst s4  }
0xd: {  	[smem:$0x3FB3] =	sst s5  }
0xe: {  	[smem:$0x3FB4] =	sst s6  }
0xf: {  	[smem:$0x3FB5] =	sst s7  }
0x10: {  	[smem:$0x3FB6] =	sst s8  }
0x11: {  	[smem:$0x3FB7] =	sst s9;
	s0 =	simm.s32 @!p0 $0x0  }
0x12: {  	s1 =	sld [smem:$0x3F9D];
	s0 =	simm.s32 @p0 $0x1  }
0x13: {  	[smem:$0x3FB8] =	sst s0;
	s0 =	simm.s32 @!p1 $0x0  }
0x14: {  	s2 =	sld [smem:$0x3F9C];
	s0 =	simm.s32 @p1 $0x1  }
0x15: {  	[smem:$0x3FB9] =	sst s0;
	s0 =	simm.s32 @!p2 $0x0  }
0x16: {  	s3 =	sld [smem:$0x3FDB];
	s0 =	simm.s32 @p2 $0x1  }
0x17: {  	s4 =	simm.s32 $0x1BF5;
	[smem:$0x3FBB] =	sst s0  }
0x18: {  	s0 =	sld [smem:$0x3F9E];
	_ =	swait.ge [sflag:s4], $0x0  }
0x19: {  	s7 =	sld [smem:$0x3F9F]  }
0x1a: {  	s8 =	sadd.s32 $0xFFFFE003, lr  }
0x1b: {  	s9 =	sadd.s32 $0xFFFFFEF7, lr;
	s5 =	simm.s32 $0xFFFFFFFF;
	p2 =	slt.u32 s8, $0xFFFFF086  }
0x1c: {  	p1 =	slt.u32 s9, $0xF7A;
	s5 =	simm.s32 @!p2 $0x0  }
0x1d: {  	s5 =	simm.s32 @p1 $0x1;
	p0 =	seq.s32 s7, s2  }
0x1e: {  	s7 =	smul.u32 @!p0 $0xF7A, s2;
	p2 =	seq.s32 @!p0 s5, $0x0  }
0x1f: {  	s9 =	smul.u32 $0xF7A, s1;
	s8 =	simm.s32 @!p0 $0x1BF5;
	p2 =	por !p2, p0  }
0x20: {  	[sflag:s8] =	ssyncset.s32 @!p0 $0xFFFFF086;
	s6 =	sadd.s32 @!p0 s3, s7;
	s7 =	simm.s32 @!p0 $0x108  }
0x21: {  	s3 =	sadd.s32 s3, s9;
	s6 =	sadd.s32 @!p0 $0x88, s6;
	s7 =	simm.s32 @p2 $0x1082  }
0x22: {  	[simem:s7], [sflag:s8] =	dma.local @!p0 [hbm:s6], $0xF7A  }
0x23: {  	s9 =	sor.u32 $0xD0000000, s2;
	s6 =	simm.s32 $0x108;
	_ =	swait.ge @!p0 [sflag:s8], $0x0  }
0x24: {  	s3 =	sadd.s32 $0x88, s3;
	s6 =	simm.s32 @!p1 $0x1082;
	[sflag:s4] =	ssyncset.s32 $0xFFFFF086  }
0x25: {  	[simem:s6], [sflag:s4] =	dma.local [hbm:s3], $0xF7A  }
0x26: {  	[smem:$0x3F9F] =	sst s1;
	(tag) =	ssettag s2;
	_ =	strace s9  }
0x27: {  	s1 =	sld [smem:$0x3FAF]  }
0x28: {  	s2 =	sld [smem:$0x3FB0]  }
0x29: {  	s4 =	sld [smem:$0x3FB2]  }
0x2a: {  	p0 =	seq.s32 s5, $0x0;
	s5 =	sld [smem:$0x3FB3]  }
0x2b: {  	s6 =	sld [smem:$0x3FB4]  }
0x2c: {  	s7 =	sld [smem:$0x3FB5]  }
0x2d: {  	s3 =	simm.s32 $0x108;
	s8 =	sld [smem:$0x3FB6]  }
0x2e: {  	s3 =	simm.s32 @!p0 $0x1082;
	s9 =	sld [smem:$0x3FB7]  }
0x2f: {  	lr =	sadd.s32 s0, s3;
	s0 =	sld [smem:$0x3FAE]  }
0x30: {  	s3 =	sld [smem:$0x3FB1]  }
0x31: {  	[smem:$0x3FBA] =	sst s10  }
0x32: {  	s10 =	sld [smem:$0x3FB8];
	_ =	sdelay $0x3  }
0x33: {  	p0 =	seq.s32 s10, $0x1;
	s10 =	sld [smem:$0x3FBA];
	_ =	sdelay $0x3  }
0x34: {  	[smem:$0x3FBA] =	sst s10  }
0x35: {  	s10 =	sld [smem:$0x3FB9];
	_ =	sdelay $0x3  }
0x36: {  	p1 =	seq.s32 s10, $0x1;
	s10 =	sld [smem:$0x3FBA];
	_ =	sdelay $0x3  }
0x37: {  	[smem:$0x3FBA] =	sst s10  }
0x38: {  	s10 =	sld [smem:$0x3FBB]  }
0x39: {  	_ = 	snop;
	(pc) =	sbr.ind lr, $3  }
0x3a: {  	_ = 	snop  }
0x3b: {  	_ = 	snop  }
0x3c: {  	p2 =	seq.s32 s10, $0x1;
	s10 =	sld [smem:$0x3FBA]  }
0x3d: {  	_ =	shalt  }
0x3e: {  	_ =	shalt  }
0x3f: {  	_ =	shalt  }
0x40: {  	_ =	shalt  }
0x41: {  	_ =	shalt  }
0x42: {  	_ =	shalt  }
0x43: {  	_ =	shalt  }
0x44: {  	_ =	shalt  }
0x45: {  	_ =	shalt  }
0x46: {  	_ =	shalt  }
0x47: {  	_ =	shalt  }
0x48: {  	_ =	shalt  }
0x49: {  	_ =	shalt  }
0x4a: {  	_ =	shalt  }
0x4b: {  	_ =	shalt  }
0x4c: {  	_ =	shalt  }
0x4d: {  	_ =	shalt  }
0x4e: {  	_ =	shalt  }
0x4f: {  	_ =	shalt  }
0x50: {  	_ =	shalt  }
0x51: {  	_ =	shalt  }
0x52: {  	_ =	shalt  }
0x53: {  	_ =	shalt  }
0x54: {  	_ =	shalt  }
0x55: {  	_ =	shalt  }
0x56: {  	_ =	shalt  }
0x57: {  	_ =	shalt  }
0x58: {  	_ =	shalt  }
0x59: {  	_ =	shalt  }
0x5a: {  	_ =	shalt  }
0x5b: {  	_ =	shalt  }
0x5c: {  	_ =	shalt  }
0x5d: {  	_ =	shalt  }
0x5e: {  	_ =	shalt  }
0x5f: {  	_ =	shalt  }
0x60: {  	_ =	shalt  }
0x61: {  	_ =	shalt  }
0x62: {  	_ =	shalt  }
0x63: {  	_ =	shalt  }
0x64: {  	_ =	shalt  }
0x65: {  	_ =	shalt  }
0x66: {  	_ =	shalt  }
0x67: {  	_ =	shalt  }
0x68: {  	_ =	shalt  }
0x69: {  	_ =	shalt  }
0x6a: {  	_ =	shalt  }
0x6b: {  	_ =	shalt  }
0x6c: {  	_ =	shalt  }
0x6d: {  	_ =	shalt  }
0x6e: {  	_ =	shalt  }
0x6f: {  	_ =	shalt  }
0x70: {  	_ =	shalt  }
0x71: {  	_ =	shalt  }
0x72: {  	_ =	shalt  }
0x73: {  	_ =	shalt  }
0x74: {  	_ =	shalt  }
0x75: {  	_ =	shalt  }
0x76: {  	_ =	shalt  }
0x77: {  	_ =	shalt  }
0x78: {  	_ =	shalt  }
0x79: {  	_ =	shalt  }
0x7a: {  	_ =	shalt  }
0x7b: {  	_ =	shalt  }
0x7c: {  	_ =	shalt  }
0x7d: {  	_ =	shalt  }
0x7e: {  	_ =	shalt  }
0x7f: {  	_ =	shalt  }
0x80: {  	_ =	shalt  }
0x81: {  	_ =	shalt  }
0x82: {  	_ =	shalt  }
0x83: {  	_ =	shalt  }
0x84: {  	_ =	shalt  }
0x85: {  	_ =	shalt  }
0x86: {  	_ =	shalt  }
0x87: {  	_ =	shalt  }
.Lfunc_end0:
.L_simem_size_0:
called_computation_lowered:
.L_overlay_start_0:
0x88: {  	s0 =	sld [smem:$0x3FD9]  }
0x89: {  	s1 =	sld [smem:$0x3FFE];
	_ =	sdelay $0x3  }
0x8a: {  	s0 =	sadd.s32 s1, s0  }
0x8b: {  	[smem:$0x3FC6] =	sst s0  }
0x8c: {  	_ = 	snop  }
0x8d: {  	s0 =	sld [smem:$0x3FD0];
	(tm) =	ssettm $0x1  }
0x8e: {  	s16 =	sld [smem:$0x3FFB];
	_ =	sdelay $0x3  }
0x8f: {  	_ =	strace s16  }
0x90: {  	s1 =	sld [smem:$0x3FFC];
	_ =	sdelay $0x3  }
0x91: {  	_ =	strace s1  }
0x92: {  	s1 =	sld [smem:$0x3FFD];
	_ =	sdelay $0x3  }
0x93: {  	_ =	strace s1  }
0x94: {  	_ =	strace $0x8FFFFFFF  }
0x95: {  	s17 =	sld [smem:$0x3FDB];
	_ =	sdelay $0x1  }
0x96: {  	s2 =	simm.s32 $_scs_section_size  }
0x97: {  	s3 =	simm.s32 $_size__tile_overlayer_lowered;
	s4 =	simm.s32 $_tile_overlayer_lowered  }
0x98: {  	s20 =	simm.s32 $0x1BFF;
	s19 =	sshll.u32 s4, $0x1;
	s1 =	sadd.s32 s2, s17  }
0x99: {  	s5 =	simm.s32 $0x0;
	s18 =	sshll.u32 s3, $0x1;
	s3 =	sadd.s32 s19, s1  }
0x9a: {  	[timem:s5], [sflag:s20] =	dma.local [hbm:s3], s18  }
0x9b: {  	_ =	swait.ge [sflag:s20], s18  }
0x9c: {  	s2 =	ssub.s32 $0x0, s18;
	[sflag:s20] =	ssyncset.done $0x0  }
0x9d: {  	[sflag:s20] =	ssyncadd.s32 s2;
	_ =	sdelay $0x1  }
0x9e: {  	s21 =	simm.s32 $0x1B8B  }
0x9f: {  	_ =	swait.ge [sflag:s21], $0x1  }
0xa0: {  	[sflag:s21] =	ssyncset.done $0x0  }
0xa1: {  	s23 =	simm.s32 $0x1B8E;
	s22 =	sld [smem:$0x3FFE];
	[sflag:s21] =	ssyncadd.s32 $0xFFFFFFFF  }
0xa2: {  	s24 =	simm.s32 $execute0_lowered;
	[smem:$0x3FD2] =	sst s23  }
0xa3: {  	s3 =	sshll.u32 s24, $0x1;
	_ =	strace $0x80000046;
	[dreg:$0x1] =	wrdreg $0xFFFFFFFF  }
0xa4: {  	s25 =	simm.s32 $_size_execute0_lowered;
	s1 =	sadd.s32 s1, s3;
	[dreg:$0x0] =	wrdreg $0x0  }
0xa5: {  	s3 =	sshll.u32 s25, $0x1;
	[dreg:$0x2] =	wrdreg s1  }
0xa6: {  	[dreg:$0x3] =	wrdreg s3  }
0xa7: {  	[dreg:$0x4] =	wrdreg $0xC0  }
0xa8: {  	_ =	task [dreg:s5], $0x5FFFF  }
0xa9: {  	[dreg:$0x1] =	wrdreg $0xFFFFFFFF  }
0xaa: {  	[dreg:$0x0] =	wrdreg $0x60  }
0xab: {  	[dreg:$0x2] =	wrdreg s22  }
0xac: {  	[dreg:$0x3] =	wrdreg s0  }
0xad: {  	[dreg:$0x4] =	wrdreg $0x9  }
0xae: {  	_ =	task.clear_ibuf [dreg:s5], $0x5FFFF;
	_ =	strace $0x90000046  }
0xaf: {  	s26 =	simm.s32 $0x9;
	_ =	strace $0x80000048  }
0xb0: {  	_ =	swait.ge [sflag:s26], $0x1  }
0xb1: {  	[sflag:s26] =	ssyncadd.s32 $0xFFFFFFFF  }
0xb2: {  	_ =	strace $0x90000048  }
0xb3: {  	_ =	sfence  }
0xb4: {  	s28 =	sld [smem:$0x0];
	_ =	sdelay $0x1  }
0xb5: {  	s29 =	srdreg.scid  }
0xb6: {  	s30 =	sshll.u32 s29, $0xD;
	s31 =	sshrl.u32 s29, $0x2  }
0xb7: {  	s2 =	sand.u32 $0x4000, s30;
	s1 =	sand.u32 $0x1, s29;
	s0 =	sadd.s32 s31, s28  }
0xb8: {  	s1 =	sor.u32 s2, s1;
	s0 =	sshll.u32 s0, $0x11  }
0xb9: {  	s0 =	sor.u32 s0, s1  }
0xba: {  	s0 =	sadd.s32 $0x8F2B, s0  }
0xbb: {  	[sflag:s0] =	ssyncadd.remote.s32 $0x1  }
0xbc: {  	_ =	sfence.sel $0xFFFF  }
0xbd: {  	[dreg:$0x0] =	wrdreg $0xFFFFFFFF;
	(pc) =	sbr.abs _section_cstart, $3  }
0xbe: {  	[dreg:$0x1] =	wrdreg $0xFFFFFFFF  }
0xbf: {  	_ =	task.clear_ibuf [dreg:s5], $0x2FFFF;
	_ =	strace $0x9FFFFFFF  }
0xc0: {  	(tm) =	ssettm $0x7FFFFFFF  }
0xc1: {  	_ =	shalt  }
tec
execute0_lowered:
.L_overlay_start_1:
0x0: {  	(tag) =	ssettag $0x1  }
0x1: {  	s2 =	stileid.u32  }
0x2: {  	s4 =	rddreg [dreg:$0x0];
	s5 =	smul.u32 $0x500, s2  }
0x3: {  	s1 =	rddreg [dreg:$0x1]  }
0x4: {  	s0 =	rddreg [dreg:$0x2];
	s6 =	simm.s32 $0x0;
	s3 =	smin.u32 s5, $0x4920  }
0x5: {  	[smem:$0x7FF] =	sst s6;
	s7 =	sadd.s32 $0xA00, s4;
	s8 =	sshrl.u32 s3, $0x3  }
0x6: {  	s9 =	sadd.s32 $0x3200, s4;
	_ =	strace $0x80000047;
	s10 =	sadd.s32 s7, s8  }
0x7: {  	[tilespmem:s6], [sflag:$0x1] =	stream.linear.gather [hbm4b:s10+s6], $0x500, $0x38;
	[tilespmem:$0x2920] =	vst v63  }
0x8: {  	s12 =	simm.s32 $0x1400;
	s14 =	sadd.s32 s9, s8;
	s11 =	sadd.s32 $0x9C4, s8  }
0x9: {  	[tilespmem:s12], [sflag:$0x1] =	stream.linear.gather [hbm4b:s14+s6], $0x500, $0x38;
	[tilespmem:$0x2920] =	vst v63  }
0xa: {  	s16 =	simm.s32 $0x500;
	s15 =	sadd.s32 s7, s11  }
0xb: {  	[tilespmem:s16], [sflag:$0x1] =	stream.linear.gather [hbm4b:s15+s6], $0x500, $0x38;
	[tilespmem:$0x2920] =	vst v63  }
0xc: {  	s19 =	simm.s32 $0x1900;
	s18 =	sadd.s32 $0x1388, s8;
	s17 =	sadd.s32 s9, s11  }
0xd: {  	[tilespmem:s19], [sflag:$0x1] =	stream.linear.gather [hbm4b:s17+s6], $0x500, $0x38;
	[tilespmem:$0x2920] =	vst v63  }
0xe: {  	s21 =	simm.s32 $0xA00;
	s20 =	sadd.s32 s7, s18  }
0xf: {  	[tilespmem:s21], [sflag:$0x1] =	stream.linear.gather [hbm4b:s20+s6], $0x500, $0x38;
	[tilespmem:$0x2920] =	vst v63  }
0x10: {  	s23 =	simm.s32 $0x1E00;
	s8 =	sadd.s32 $0x1D4C, s8;
	s22 =	sadd.s32 s9, s18  }
0x11: {  	[tilespmem:s23], [sflag:$0x1] =	stream.linear.gather [hbm4b:s22+s6], $0x500, $0x38;
	[tilespmem:$0x2920] =	vst v63  }
0x12: {  	s24 =	simm.s32 $0xF00;
	s7 =	sadd.s32 s7, s8  }
0x13: {  	[tilespmem:s24], [sflag:$0x1] =	stream.linear.gather [hbm4b:s7+s6], $0x500, $0x38;
	[tilespmem:$0x2920] =	vst v63  }
0x14: {  	s26 =	simm.s32 $0x2300;
	s28 =	simm.s32 $0x1;
	s25 =	sadd.s32 s9, s8  }
0x15: {  	[tilespmem:s26], [sflag:$0x1] =	stream.linear.gather [hbm4b:s25+s6], $0x500, $0x38;
	[tilespmem:$0x2920] =	vst v63  }
0x16: {  	_ =	swait.ge [sflag:s28], $0x500  }
0x17: {  	[sflag:s28] =	ssyncset.done $0x0  }
0x18: {  	[sflag:s28] =	ssyncadd.s32 $0xFFFFFB00  }
0x19: {  	_ =	swait.ge [sflag:s28], $0x500  }
0x1a: {  	[sflag:s28] =	ssyncset.done $0x0  }
0x1b: {  	[sflag:s28] =	ssyncadd.s32 $0xFFFFFB00  }
0x1c: {  	_ =	swait.ge [sflag:s28], $0x500  }
0x1d: {  	[sflag:s28] =	ssyncset.done $0x0  }
0x1e: {  	[sflag:s28] =	ssyncadd.s32 $0xFFFFFB00  }
0x1f: {  	_ =	swait.ge [sflag:s28], $0x500  }
0x20: {  	[sflag:s28] =	ssyncset.done $0x0  }
0x21: {  	[sflag:s28] =	ssyncadd.s32 $0xFFFFFB00  }
0x22: {  	_ =	swait.ge [sflag:s28], $0x500  }
0x23: {  	[sflag:s28] =	ssyncset.done $0x0  }
0x24: {  	[sflag:s28] =	ssyncadd.s32 $0xFFFFFB00  }
0x25: {  	_ =	swait.ge [sflag:s28], $0x500  }
0x26: {  	[sflag:s28] =	ssyncset.done $0x0  }
0x27: {  	[sflag:s28] =	ssyncadd.s32 $0xFFFFFB00  }
0x28: {  	_ =	swait.ge [sflag:s28], $0x500  }
0x29: {  	[sflag:s28] =	ssyncset.done $0x0  }
0x2a: {  	[sflag:s28] =	ssyncadd.s32 $0xFFFFFB00  }
0x2b: {  	_ =	swait.ge [sflag:s28], $0x500  }
0x2c: {  	[sflag:s28] =	ssyncset.done $0x0  }
0x2d: {  	s29 =	simm.s32 $0x0;
	[sflag:s28] =	ssyncadd.s32 $0xFFFFFB00  }
0x2e: {  	v0 =	vld [tilespmem:s29+$0x0]  }
0x2f: {  	v1 =	vld [tilespmem:s29+$0xA00]  }
0x30: {  	v2 =	vld [tilespmem:s29+$0xF00]  }
0x31: {  	v3 =	vld [tilespmem:s29+$0x1400]  }
0x32: {  	v4 =	vld [tilespmem:s29+$0x1E00]  }
0x33: {  	v5 =	vld [tilespmem:s29+$0x2300]  }
0x34: {  	v6 =	vld [tilespmem:s29+$0x500]  }
0x35: {  	v7 =	vld [tilespmem:s29+$0x1900];
	_ =	sdelay $0x1  }
0x36: {  	v8 =	vmax.f32 v1, v4  }
0x37: {  	v9 =	vmin.f32 v0, v3;
	v10 =	vmax.f32 v2, v5;
	v11 =	vmin.f32 v1, v4  }
0x38: {  	s30 =	simm.s32 $0x10;
	v12 =	vmax.f32 v0, v3;
	v0 =	vsub.f32 v1, v0;
	v1 =	vsub.f32 v2, v6  }
0x39: {  	v13 =	vmin.f32 v2, v5;
	v3 =	vsub.f32 v4, v3;
	v4 =	vsub.f32 v5, v7;
	v5 =	vld [tilespmem:s30+$0x0]  }
0x3a: {  	v2 =	vmax.f32 v6, v7;
	v6 =	vmin.f32 v6, v7;
	v7 =	vld [tilespmem:s30+$0xA00]  }
0x3b: {  	v11 =	vsub.f32 v11, v12;
	v0 =	vmul.f32 v1, v0;
	v1 =	vmul.f32 v4, v3;
	v4 =	vld [tilespmem:s30+$0xF00]  }
0x3c: {  	v2 =	vsub.f32 v13, v2;
	v3 =	vsub.f32 v8, v9;
	v9 =	vld [tilespmem:s30+$0x1400]  }
0x3d: {  	v6 =	vsub.f32 v10, v6;
	v8 =	vmax.f32 v11, $0.0e+00;
	v11 =	vld [tilespmem:s30+$0x1900]  }
0x3e: {  	v2 =	vmax.f32 v2, $0.0e+00;
	v0 =	vadd.f32 v1, v0;
	v1 =	vld [tilespmem:s30+$0x1E00]  }
0x3f: {  	v14 =	vmul.f32 v2, v8;
	v2 =	vmul.f32 v6, v3;
	v3 =	vld [tilespmem:s30+$0x2300]  }
0x40: {  	v8 =	vld [tilespmem:s30+$0x500]  }
0x41: {  	v6 =	vsub.f32 v0, v14;
	v10 =	vadd.f32 $1.000000010e-07, v2  }
0x42: {  	v18 =	vsub.f32 v7, v5  }
0x43: {  	v16 =	vmax.f32 v5, v9;
	v12 =	vadd.f32 $1.000000010e-07, v6;
	(erf) = vrcp.f32 v10  }
0x44: {  	v10 =	vmax.f32 v7, v1;
	v15 =	vmin.f32 v7, v1;
	v17 =	vmin.f32 v4, v3  }
0x45: {  	v19 =	vmax.f32 v8, v11;
	v1 =	vsub.f32 v1, v9;
	(erf) = vrcp.f32 v12  }
0x46: {  	s31 =	simm.s32 $0x20;
	v12 =	vmax.f32 v4, v3;
	v4 =	vsub.f32 v4, v8;
	v3 =	vsub.f32 v3, v11  }
0x47: {  	v13 =	vmin.f32 v5, v9;
	v5 =	vld [tilespmem:s31+$0x0];
	v15 =	vsub.f32 v15, v16;
	v16 =	vsub.f32 v17, v19  }
0x48: {  	v7 =	vld [tilespmem:s31+$0xA00];
	v4 =	vmul.f32 v4, v18;
	v17 =	vmul.f32 v3, v1  }
0x49: {  	v9 =	vld [tilespmem:s31+$0x1400];
	v3 =	vmax.f32 v15, $0.0e+00;
	v15 =	vmax.f32 v16, $0.0e+00  }
0x4a: {  	v11 =	vmin.f32 v8, v11;
	v8 =	vld [tilespmem:s31+$0xF00];
	v3 =	vmul.f32 v15, v3;
	v15 =	vadd.f32 v17, v4  }
0x4b: {  	v13 =	vsub.f32 v10, v13;
	v10 =	vld [tilespmem:s31+$0x1E00];
	v12 =	vsub.f32 v12, v11  }
0x4c: {  	v0 =	vmov s5;
	v11 =	vld [tilespmem:s31+$0x2300];
	v1 =	vlaneseq.u32  }
0x4d: {  	v4 =	vmul.f32 v12, v13;
	v17 =	vsub.f32 v2, v6;
	v13 =	vor.u32 s3, v1;
	v18 =	vpop (erf)  }
0x4e: {  	v2 =	vimm.f32 $0.0e+00;
	v12 =	vld [tilespmem:s31+$0x500];
	vm0 =	vlt.u32 v13, v0;
	v6 =	vsub.f32 v15, v3;
	v15 =	vpop (erf)  }
0x4f: {  	s4 =	sadd.s32 $0x5A00, s4;
	s5 =	simm.s32 $0xC0;
	v13 =	vld [tilespmem:s31+$0x1900];
	v16 =	vadd.f32 $1.000000010e-07, v4;
	v14 =	vmul.f32 v15, v14;
	v15 =	vmul.f32 v17, v18  }
.LBB2_1:
0x50: {  	p0 =	sne.s32 s5, $0x13C0;
	v17 =	vmax.f32 v7, v10;
	v18 =	vmin.f32 v5, v9;
	v19 =	vadd.f32 $1.000000010e-07, v6  }
0x51: {  	v20 =	vmax.f32 v8, v11;
	(erf) = vrcp.f32 v16;
	v14 =	vsub.f32 v15, v14  }
0x52: {  	v15 =	vmin.f32 v7, v10;
	v16 =	vmax.f32 v5, v9;
	(erf) = vrcp.f32 v19  }
0x53: {  	s6 =	sshra.s32 s5, $0x2;
	v21 =	vsub.f32 v7, v5;
	v19 =	vmin.f32 v8, v11;
	v14 =	vadd.f32 $1.000000000e+00, v14  }
0x54: {  	v10 =	vsub.f32 v10, v9;
	v23 =	vsub.f32 v8, v12;
	v5 =	vld [tilespmem:s6+$0x0];
	v22 =	vmax.f32 v12, v13  }
0x55: {  	v15 =	vsub.f32 v15, v16;
	v11 =	vsub.f32 v11, v13;
	v7 =	vld [tilespmem:s6+$0xA00];
	v9 =	vsel vm0, $0x0, v14  }
0x56: {  	v12 =	vmin.f32 v12, v13;
	v14 =	vsub.f32 v19, v22;
	v8 =	vld [tilespmem:s6+$0xF00];
	v2 =	vadd.f32 v9, v2  }
0x57: {  	v13 =	vmul.f32 v23, v21;
	v19 =	vsub.f32 v17, v18;
	v16 =	vmul.f32 v11, v10;
	v9 =	vld [tilespmem:s6+$0x1400]  }
.Ltmp0:
0x58: {  	v15 =	vmax.f32 v15, $0.0e+00;
	v12 =	vsub.f32 v20, v12;
	v14 =	vmax.f32 v14, $0.0e+00;
	v10 =	vld [tilespmem:s6+$0x1E00];
	(pc) =	sbr.rel @p0 .LBB2_1-.Ltmp0, $4  }
0x59: {  	s3 =	sadd.s32 $0x10, s3;
	v18 =	vmul.f32 v14, v15;
	v13 =	vadd.f32 v16, v13;
	v11 =	vld [tilespmem:s6+$0x2300]  }
0x5a: {  	v15 =	vsub.f32 v4, v6;
	v4 =	vmul.f32 v12, v19;
	v16 =	vor.u32 s3, v1;
	v17 =	vpop (erf)  }
0x5b: {  	vm0 =	vlt.u32 v16, v0;
	v6 =	vsub.f32 v13, v18;
	v12 =	vld [tilespmem:s6+$0x500];
	v14 =	vpop (erf)  }
0x5c: {  	s5 =	sadd.s32 $0x40, s5;
	v16 =	vadd.f32 $1.000000010e-07, v4;
	v15 =	vmul.f32 v15, v17;
	v13 =	vld [tilespmem:s6+$0x1900];
	v14 =	vmul.f32 v14, v3;
	v3 =	vmovc v18  }
0x5d: {  	_ = 	snop  }
0x5e: {  	v17 =	vmax.f32 v7, v10;
	v18 =	vmin.f32 v5, v9  }
0x5f: {  	v20 =	vmin.f32 v7, v10;
	v21 =	vmax.f32 v5, v9;
	v41 =	vsub.f32 v7, v5  }
0x60: {  	v43 =	vsub.f32 v10, v9;
	v42 =	vmin.f32 v8, v11;
	v20 =	vsub.f32 v20, v21  }
0x61: {  	v45 =	vsub.f32 v8, v12;
	v44 =	vmax.f32 v12, v13;
	v46 =	vsub.f32 v11, v13  }
0x62: {  	v19 =	vmax.f32 v8, v11;
	v49 =	vsub.f32 v17, v18;
	v7 =	vsub.f32 v42, v44  }
0x63: {  	v47 =	vmin.f32 v12, v13;
	v5 =	vmul.f32 v45, v41;
	v48 =	vmul.f32 v46, v43  }
0x64: {  	v50 =	vmax.f32 v20, $0.0e+00;
	v10 =	vsub.f32 v19, v47;
	v7 =	vmax.f32 v7, $0.0e+00  }
0x65: {  	v7 =	vmul.f32 v7, v50;
	v5 =	vadd.f32 v48, v5  }
0x66: {  	v51 =	vmul.f32 v10, v49  }
0x67: {  	v52 =	vadd.f32 $1.000000010e-07, v6;
	v5 =	vsub.f32 v5, v7  }
0x68: {  	(erf) = vrcp.f32 v16;
	v10 =	vadd.f32 $1.000000010e-07, v51  }
0x69: {  	(erf) = vrcp.f32 v52;
	v53 =	vadd.f32 $1.000000010e-07, v5  }
0x6a: {  	(erf) = vrcp.f32 v10  }
0x6b: {  	(erf) = vrcp.f32 v53;
	_ =	sdelay $0x5  }
0x6c: {  	v4 =	vsub.f32 v4, v6;
	v54 =	vpop (erf)  }
0x6d: {  	v56 =	vsub.f32 v15, v14;
	v55 =	vpop (erf)  }
0x6e: {  	v4 =	vmul.f32 v4, v54;
	v3 =	vmul.f32 v55, v3;
	v5 =	vsub.f32 v51, v5;
	v57 =	vpop (erf)  }
0x6f: {  	v58 =	vadd.f32 $1.000000000e+00, v56;
	v59 =	vpop (erf)  }
0x70: {  	s3 =	sadd.s32 $0x10, s3;
	v3 =	vsub.f32 v4, v3;
	v5 =	vmul.f32 v5, v57;
	v60 =	vmul.f32 v59, v7  }
0x71: {  	v62 =	vor.u32 s3, v1  }
0x72: {  	v61 =	vsel vm0, $0x0, v58;
	v3 =	vadd.f32 $1.000000000e+00, v3;
	v4 =	vsub.f32 v5, v60  }
0x73: {  	s3 =	sadd.s32 $0x10, s3;
	vm14 =	vlt.u32 v62, v0;
	v2 =	vadd.f32 v61, v2  }
0x74: {  	v63 =	vor.u32 s3, v1;
	v3 =	vsel vm14, $0x0, v3;
	v4 =	vadd.f32 $1.000000000e+00, v4  }
0x75: {  	vm15 =	vlt.u32 v63, v0;
	v2 =	vadd.f32 v3, v2  }
0x76: {  	v0 =	vsel vm15, $0x0, v4  }
0x77: {  	v0 =	vadd.f32 v0, v2  }
0x78: {  	s30 =	sshll.u32 s2, $0x1;
	s5 =	simm.s32 $0x0  }
0x79: {  	s6 =	simm.s32 $0x2800;
	s31 =	simm.s32 $0x2;
	s3 =	sadd.s32 s4, s30;
	[tilespmem:$0x2800] =	vst v0  }
0x7a: {  	[hbm4b:s3+s5] =	stream.linear.scatter [tilespmem:s6], [sflag:$0x2], $0x10, $0x38;
	[tilespmem:$0x2920] =	vst v63  }
0x7b: {  	_ =	swait.ge [sflag:s31], $0x10  }
0x7c: {  	[sflag:s31] =	ssyncset.done $0x0  }
0x7d: {  	[sflag:s31] =	ssyncadd.s32 $0xFFFFFFF0  }
0x7e: {  	p0 =	sne.s32 s2, $0x0;
	[bflag:$0x0] =	sbarrier.arrive $0xFFFF  }
0x7f: {  	_ =	sfence.sel @p0 $0x180000  }
0x80: {  	[bflag:$0x0] =	sbarrier.arrive @p0 $0xFFFF  }
0x81: {  	_ =	strace @p0 $0x90000047  }
0x82: {  	s2 =	simm.s32 @!p0 $0x0;
	s3 =	simm.s32 @!p0 $0x2810;
	[bflag:$0x2] =	sbarrier.arrive @p0 $0xFFFF  }
0x83: {  	[tilespmem:s3], [sflag:$0x2] =	stream.linear.gather @!p0 [hbm4b:s4+s2], $0x100, $0x38;
	[tilespmem:$0x2920] =	vst v63  }
0x84: {  	s3 =	simm.s32 @!p0 $0x2  }
0x85: {  	_ =	swait.ge @!p0 [sflag:s3], $0x100  }
0x86: {  	[sflag:s3] =	ssyncset.done @!p0 $0x0  }
0x87: {  	[sflag:s3] =	ssyncadd.s32 @!p0 $0xFFFFFF00  }
0x88: {  	v0 =	vld @!p0 [tilespmem:$0x2810]  }
0x89: {  	v1 =	vld @!p0 [tilespmem:$0x2820];
	_ =	sdelay $0x1  }
0x8a: {  	v2 =	vld @!p0 [tilespmem:$0x2830];
	_ =	sdelay $0x1  }
0x8b: {  	v3 =	vld @!p0 [tilespmem:$0x2840]  }
0x8c: {  	v0 =	vadd.f32 @!p0 v1, v0  }
0x8d: {  	v1 =	vld @!p0 [tilespmem:$0x2850]  }
0x8e: {  	v0 =	vadd.f32 @!p0 v2, v0  }
0x8f: {  	v2 =	vld @!p0 [tilespmem:$0x2860]  }
0x90: {  	v0 =	vadd.f32 @!p0 v3, v0  }
0x91: {  	v3 =	vld @!p0 [tilespmem:$0x2870]  }
0x92: {  	v0 =	vadd.f32 @!p0 v1, v0  }
0x93: {  	v1 =	vld @!p0 [tilespmem:$0x2880]  }
0x94: {  	v0 =	vadd.f32 @!p0 v2, v0  }
0x95: {  	v2 =	vld @!p0 [tilespmem:$0x2890]  }
0x96: {  	v0 =	vadd.f32 @!p0 v3, v0  }
0x97: {  	v3 =	vld @!p0 [tilespmem:$0x28A0]  }
0x98: {  	v0 =	vadd.f32 @!p0 v1, v0  }
0x99: {  	v1 =	vld @!p0 [tilespmem:$0x28B0]  }
0x9a: {  	v0 =	vadd.f32 @!p0 v2, v0  }
0x9b: {  	v2 =	vld @!p0 [tilespmem:$0x28C0]  }
0x9c: {  	v0 =	vadd.f32 @!p0 v3, v0  }
0x9d: {  	v3 =	vld @!p0 [tilespmem:$0x28D0]  }
0x9e: {  	v0 =	vadd.f32 @!p0 v1, v0  }
0x9f: {  	v1 =	vld @!p0 [tilespmem:$0x28E0]  }
0xa0: {  	v0 =	vadd.f32 @!p0 v2, v0  }
0xa1: {  	v2 =	vld @!p0 [tilespmem:$0x28F0]  }
0xa2: {  	v0 =	vadd.f32 @!p0 v3, v0  }
0xa3: {  	v3 =	vld @!p0 [tilespmem:$0x2900]  }
0xa4: {  	v0 =	vadd.f32 @!p0 v1, v0;
	_ =	sdelay $0x1  }
0xa5: {  	v0 =	vadd.f32 @!p0 v2, v0;
	_ =	sdelay $0x1  }
0xa6: {  	v0 =	vadd.f32 @!p0 v3, v0;
	_ =	sdelay $0x1  }
0xa7: {  	(xrf2) =	vadd.scan.msk.f32 @!p0 $0xffff, v0;
	_ =	sdelay $0x9  }
0xa8: {  	v0, _, _ =	vpop @!p0 (xrf2)  }
0xa9: {  	(v2sf) =	vpush @!p0 v0, $0xF;
	_ =	sdelay $0xe  }
0xaa: {  	s4 =	spop @!p0 (v2sf)  }
0xab: {  	s4 =	smul.f32 @!p0 $4.999999870e-05, s4;
	_ =	sdelay $0x1  }
0xac: {  	v0 =	vmov @!p0 s4  }
0xad: {  	s4 =	simm.s32 @!p0 $0x2910;
	[tilespmem:$0x2910] =	vst @!p0 v0  }
0xae: {  	[hbm4b:s1+s2] =	stream.linear.scatter @!p0 [tilespmem:s4], [sflag:$0x2], $0x10, $0x38;
	[tilespmem:$0x2920] =	vst v63  }
0xaf: {  	_ =	swait.ge @!p0 [sflag:s3], $0x10  }
0xb0: {  	[sflag:s3] =	ssyncset.done @!p0 $0x0  }
0xb1: {  	[sflag:s3] =	ssyncadd.s32 @!p0 $0xFFFFFFF0  }
0xb2: {  	_ =	sfence.sel @!p0 $0x180000  }
0xb3: {  	[bflag:$0x0] =	sbarrier.arrive @!p0 $0xFFFF  }
0xb4: {  	_ =	strace @!p0 $0x90000047  }
0xb5: {  	s0 =	sadd.s32 @!p0 $0x100000, s0;
	[bflag:$0x2] =	sbarrier.arrive @!p0 $0xFFFF  }
0xb6: {  	[sflag:s0] =	ssyncadd.tile.s32 @!p0 $0x1;
	_ =	shalt  }
.Lfunc_end2:
_tile_overlayer_lowered:
.L_overlay_start_2:
0xb7: {  	(tag) =	ssettag $0x2  }
0xb8: {  	s0 =	rddreg [dreg:$0x0];
	s2 =	stileid.u32  }
0xb9: {  	s1 =	rddreg [dreg:$0x1];
	p0 =	sne.s32 s2, $0x0  }
0xba: {  	s3 =	rddreg [dreg:$0x2];
	[bflag:$0x3] =	sbarrier.arrive $0xFFFF;
	s2 =	simm.s32 @!p0 $0x1C02  }
0xbb: {  	[timem:s3], [sflag:s2] =	dma.local @!p0 [hbm:s0], s1  }
0xbc: {  	s0 =	simm.s32 @!p0 $0x2  }
0xbd: {  	_ =	swait.ge @!p0 [sflag:s0], s1  }
0xbe: {  	s1 =	ssub.s32 @!p0 $0x0, s1;
	[sflag:s0] =	ssyncset.done @!p0 $0x0  }
0xbf: {  	[sflag:s0] =	ssyncadd.s32 @!p0 s1  }
0xc0: {  	[bflag:$0x3] =	sbarrier.arrive $0xFFFF  }
0xc1: {  	_ =	shalt  }

</sc_bundles>
